<compile_context>
chip_gen: v7x
topology: tpu7x:2x2x1
jax: 0.10.2.dev20260603
libtpu: 0.0.44.dev20260713+nightly
codegen_flags: <defaults>
</compile_context>

<pallas_src>
import functools

import jax
import jax.numpy as jnp
from jax import lax
from jax.experimental import pallas as pl
from jax.experimental.pallas import tpu as pltpu
from jax.experimental.pallas import tpu_sc as plsc

_NC = 2
_NS = 16
_NW = _NC * _NS
_L = 16

_BATCH = 16384
_D = 32
_CARDS = 1000
_W1_ROWS = 1024000

_FB_STRIDE = (_W1_ROWS // 128) * 1024
_CB_STRIDE = 1024
_FI_STRIDE = 128

_mesh = plsc.VectorSubcoreMesh(core_axis_name="c", subcore_axis_name="s")


@functools.partial(
    pl.kernel,
    mesh=_mesh,
    compiler_params=pltpu.CompilerParams(
        use_tc_tiling_on_sc=False,
        needs_layout_passes=False,
        disable_bounds_checks=True,
    ),
    out_type=(
        jax.ShapeDtypeStruct((_D, _BATCH), jnp.float32),
        jax.ShapeDtypeStruct((_D, _BATCH), jnp.float32),
    ),
    scratch_types=[
        pltpu.VMEM((_BATCH,), jnp.int32),
        pltpu.VMEM((_BATCH,), jnp.int32),
        pltpu.VMEM((_BATCH,), jnp.int32),
        pltpu.VMEM((_BATCH,), jnp.float32),
        pltpu.VMEM((_BATCH,), jnp.float32),
        pltpu.VMEM((1024,), jnp.float32),
        pltpu.SemaphoreType.DMA,
        pltpu.SemaphoreType.DMA,
    ],
)
def _qnet_gather(c0_hbm, c1_hbm, u0_hbm, w0cm_hbm, w1f_hbm, q0t_hbm, q1t_hbm,
                 cA, cB, idx1, col0, col1, w0col, sem0, sem1):
    i32 = jnp.int32
    f = lax.axis_index("s") * i32(_NC) + lax.axis_index("c")
    fb = f // i32(8)
    fi = f % i32(8)
    base1 = fb * i32(_FB_STRIDE) + fi * i32(_FI_STRIDE)

    pltpu.sync_copy(c1_hbm, cA)
    pltpu.sync_copy(u0_hbm, cB)

    seg = _BATCH // 8
    gathers = []
    for s in range(8):
        @plsc.parallel_loop(i32(s * seg), i32((s + 1) * seg), i32(_L), unroll=8)
        def _mk_idx(i):
            sl = pl.ds(i, _L)
            t = cB[sl] * i32(33)
            idx1[sl] = base1 + cA[sl] * i32(8192) + (t >> i32(7)) * i32(1024) + (t & i32(127))

        gathers.append(
            pltpu.async_copy(
                w1f_hbm.at[idx1.at[pl.ds(s * seg, seg)]],
                col1.at[pl.ds(s * seg, seg)],
                sem1,
            )
        )

    pltpu.sync_copy(c0_hbm, cB)
    pltpu.sync_copy(w0cm_hbm.at[f], w0col)

    @plsc.parallel_loop(i32(0), i32(_BATCH), i32(_L), unroll=8)
    def _q0(i):
        sl = pl.ds(i, _L)
        col0[sl] = plsc.load_gather(w0col, [cB[sl]])

    out0 = pltpu.async_copy(col0, q0t_hbm.at[f], sem0)
    for g in gathers:
        g.wait()
    out1 = pltpu.async_copy(col1, q1t_hbm.at[f], sem1)
    out0.wait()
    out1.wait()


def kernel(cards_0, cards_1, u0, weights_0, weights_1):
    c0 = cards_0.astype(jnp.int32)
    c1 = cards_1.astype(jnp.int32)
    u0i = u0.astype(jnp.int32)
    w1f = (
        weights_1.T.reshape(4, 8, _W1_ROWS // 128, 128)
        .transpose(0, 2, 1, 3)
        .reshape(-1)
    )
    w0cm = jnp.pad(weights_0, ((0, 1024 - _CARDS), (0, 0))).T
    q0t, q1t = _qnet_gather(c0, c1, u0i, w0cm, w1f)
    return (q0t.T, q1t.T)

# --- scband reference (transcript-rebuilt; emitter-appended) ---
"""Pipeline reference for scband-qnet-78563541778542 (READ-ONLY COPY).

The authoritative reference and input builder live on the scoring server;
editing this copy changes nothing except your own understanding.
"""

import jax
jax.config.update('jax_enable_x64', True)
import jax.numpy as jnp
import numpy as np

NUMBER_OF_CARDS = 1000
NUMBER_OF_ACTIONS = 32
BAD_MODE = 5
BATCH = 16384


def setup_inputs(seed: int = 0) -> dict:
    key = jax.random.key(seed)
    k1, k2, k3, k4, k5 = jax.random.split(key, 5)
    cards_0 = jax.random.randint(k1, (BATCH,), 0, NUMBER_OF_CARDS, dtype=jnp.int64)
    cards_1 = jax.random.randint(k2, (BATCH,), 0, NUMBER_OF_CARDS, dtype=jnp.int64)
    u0 = jax.random.randint(k3, (BATCH,), 0, NUMBER_OF_ACTIONS, dtype=jnp.int64)
    input_size_1 = NUMBER_OF_CARDS * NUMBER_OF_ACTIONS ** 2
    weights_0 = jax.random.normal(k4, (NUMBER_OF_CARDS, NUMBER_OF_ACTIONS), dtype=jnp.float32) * 0.02
    weights_1 = jax.random.normal(k5, (input_size_1, NUMBER_OF_ACTIONS), dtype=jnp.float32) * 0.02
    return {
        'cards_0': cards_0,
        'cards_1': cards_1,
        'u0': u0,
        'weights_0': weights_0,
        'weights_1': weights_1,
    }


def reference(cards_0, cards_1, u0, weights_0, weights_1):
    # q0 = weights_0[cards_0]  (embedding gather)
    q0 = jnp.take(weights_0, cards_0, axis=0)
    greedy_factor = 1 if BAD_MODE > 3 else 0
    joint_input_1 = cards_1 * NUMBER_OF_ACTIONS ** 2 + u0 * NUMBER_OF_ACTIONS
    joint_input_1 = joint_input_1 + u0 * greedy_factor
    # q1 = weights_1[joint_input_1]  (embedding gather into large table)
    q1 = jnp.take(weights_1, joint_input_1, axis=0)
    return (q0, q1)

if __name__ == "__main__":
    import jax
    _d = setup_inputs()
    print(jax.jit(kernel)(*tuple(_d.values())))

</pallas_src>

<mosaic_0001>
#map = affine_map<(d0, d1) -> (0)>
#map1 = affine_map<(d0, d1) -> (0, 0)>
module attributes {stable_mosaic.version = 14 : i64} {
  func.func @_qnet_gather(%arg0: i32, %arg1: i32, %arg2: memref<16384xi32, #tpu.memory_space<hbm>>, %arg3: memref<16384xi32, #tpu.memory_space<hbm>>, %arg4: memref<16384xi32, #tpu.memory_space<hbm>>, %arg5: memref<32x1024xf32, #tpu.memory_space<hbm>>, %arg6: memref<32768000xf32, #tpu.memory_space<hbm>>, %arg7: memref<32x16384xf32, #tpu.memory_space<hbm>>, %arg8: memref<32x16384xf32, #tpu.memory_space<hbm>>, %arg9: memref<16384xi32, #tpu.memory_space<vmem>>, %arg10: memref<16384xi32, #tpu.memory_space<vmem>>, %arg11: memref<16384xi32, #tpu.memory_space<vmem>>, %arg12: memref<16384xf32, #tpu.memory_space<vmem>>, %arg13: memref<16384xf32, #tpu.memory_space<vmem>>, %arg14: memref<1024xf32, #tpu.memory_space<vmem>>, %arg15: memref<!tpu.dma_semaphore, #tpu.memory_space<semaphore_mem>>, %arg16: memref<!tpu.dma_semaphore, #tpu.memory_space<semaphore_mem>>) attributes {dimension_semantics = [#tpu.dimension_semantics<core_parallel>, #tpu.dimension_semantics<subcore_parallel>], iteration_bounds = array<i64: 2, 16>, scalar_prefetch = 0 : i64, scratch_operands = 8 : i64, tpu.core_type = #tpu.core_type<sc_vector_subcore>, window_params = [{transform_indices = #map}, {transform_indices = #map}, {transform_indices = #map}, {transform_indices = #map1}, {transform_indices = #map}, {transform_indices = #map1}, {transform_indices = #map1}]} {
    %mul3A = arith.constant 2 : i32
    %mul3A_0 = arith.muli %arg1, %mul3A : i32
    %add3A = arith.addi %mul3A_0, %arg0 : i32
    %jit3A = arith.constant 8 : i32
    %div3A = arith.divsi %add3A, %jit3A : i32
    %sign3A = arith.constant 0 : i32
    %sign3A_1 = arith.cmpi sgt, %add3A, %sign3A : i32
    %sign3A_2 = arith.extui %sign3A_1 : i1 to i32
    %sign3A_3 = arith.constant 0 : i32
    %sign3A_4 = arith.cmpi slt, %add3A, %sign3A_3 : i32
    %sign3A_5 = arith.extui %sign3A_4 : i1 to i32
    %sign3A_6 = arith.subi %sign3A_2, %sign3A_5 : i32
    %sign3A_7 = arith.constant 0 : i32
    %sign3A_8 = arith.cmpi sgt, %jit3A, %sign3A_7 : i32
    %sign3A_9 = arith.extui %sign3A_8 : i1 to i32
    %sign3A_10 = arith.constant 0 : i32
    %sign3A_11 = arith.cmpi slt, %jit3A, %sign3A_10 : i32
    %sign3A_12 = arith.extui %sign3A_11 : i1 to i32
    %sign3A_13 = arith.subi %sign3A_9, %sign3A_12 : i32
    %ne3A = arith.cmpi ne, %sign3A_6, %sign3A_13 : i32
    %rem3A = arith.remsi %add3A, %jit3A : i32
    %ne3A_14 = arith.constant 0 : i32
    %ne3A_15 = arith.cmpi ne, %rem3A, %ne3A_14 : i32
    %and3A = arith.andi %ne3A, %ne3A_15 : i1
    %sub3A = arith.constant 1 : i32
    %sub3A_16 = arith.subi %div3A, %sub3A : i32
    %select_n3A = arith.select %and3A, %sub3A_16, %div3A : i32
    %jit3A_17 = arith.constant 8 : i32
    %eq3A = arith.constant 0 : i32
    %eq3A_18 = arith.cmpi eq, %jit3A_17, %eq3A : i32
    %jit3A_19 = arith.constant 1 : i32
    %select_n3A_20 = arith.select %eq3A_18, %jit3A_19, %jit3A_17 : i32
    %rem3A_21 = arith.remsi %add3A, %select_n3A_20 : i32
    %ne3A_22 = arith.constant 0 : i32
    %ne3A_23 = arith.cmpi ne, %rem3A_21, %ne3A_22 : i32
    %lt3A = arith.constant 0 : i32
    %lt3A_24 = arith.cmpi slt, %rem3A_21, %lt3A : i32
    %lt3A_25 = arith.constant 0 : i32
    %lt3A_26 = arith.cmpi slt, %select_n3A_20, %lt3A_25 : i32
    %ne3A_27 = arith.xori %lt3A_24, %lt3A_26 : i1
    %and3A_28 = arith.andi %ne3A_27, %ne3A_23 : i1
    %add3A_29 = arith.addi %rem3A_21, %select_n3A_20 : i32
    %select_n3A_30 = arith.select %and3A_28, %add3A_29, %rem3A_21 : i32
    %mul3A_31 = arith.constant 8192000 : i32
    %mul3A_32 = arith.muli %select_n3A, %mul3A_31 : i32
    %mul3A_33 = arith.constant 128 : i32
    %mul3A_34 = arith.muli %select_n3A_30, %mul3A_33 : i32
    %add3A_35 = arith.addi %mul3A_32, %mul3A_34 : i32
    "tpu.region"() ({
      %run_scoped3A = tpu.sem_alloc : memref<!tpu.dma_semaphore, #tpu.memory_space<semaphore_mem>>
      tpu.enqueue_dma source(%arg3 : memref<16384xi32, #tpu.memory_space<hbm>>) target(%arg9 : memref<16384xi32, #tpu.memory_space<vmem>>) target_semaphore(%run_scoped3A : memref<!tpu.dma_semaphore, #tpu.memory_space<semaphore_mem>>)
      tpu.wait_dma2 semaphore(%run_scoped3A : memref<!tpu.dma_semaphore, #tpu.memory_space<semaphore_mem>>) src(%arg3 : memref<16384xi32, #tpu.memory_space<hbm>>) dst(%arg9 : memref<16384xi32, #tpu.memory_space<vmem>>)
      tpu.yield
    }) : () -> ()
    "tpu.region"() ({
      %run_scoped3A = tpu.sem_alloc : memref<!tpu.dma_semaphore, #tpu.memory_space<semaphore_mem>>
      tpu.enqueue_dma source(%arg4 : memref<16384xi32, #tpu.memory_space<hbm>>) target(%arg10 : memref<16384xi32, #tpu.memory_space<vmem>>) target_semaphore(%run_scoped3A : memref<!tpu.dma_semaphore, #tpu.memory_space<semaphore_mem>>)
      tpu.wait_dma2 semaphore(%run_scoped3A : memref<!tpu.dma_semaphore, #tpu.memory_space<semaphore_mem>>) src(%arg4 : memref<16384xi32, #tpu.memory_space<hbm>>) dst(%arg10 : memref<16384xi32, #tpu.memory_space<vmem>>)
      tpu.yield
    }) : () -> ()
    %parallel_loop3A = arith.constant 0 : i32
    %parallel_loop3A_36 = arith.constant 2048 : i32
    %parallel_loop3A_37 = arith.constant 16 : i32
    scf.for %parallel_loop3A_180 = %parallel_loop3A to %parallel_loop3A_36 step %parallel_loop3A_37  : i32 {
      %parallel_loop3A_181 = arith.index_cast %parallel_loop3A_180 : i32 to index
      %parallel_loop3A_182 = tpu.vector_load %arg10[%parallel_loop3A_181] {strides = array<i32>} : memref<16384xi32, #tpu.memory_space<vmem>>, vector<16xi32>,
      %parallel_loop3A_183 = arith.constant 33 : i32
      %parallel_loop3A_184 = vector.broadcast %parallel_loop3A_183 : i32 to vector<16xi32>
      %parallel_loop3A_185 = arith.muli %parallel_loop3A_182, %parallel_loop3A_184 : vector<16xi32>
      %parallel_loop3A_186 = arith.index_cast %parallel_loop3A_180 : i32 to index
      %parallel_loop3A_187 = tpu.vector_load %arg9[%parallel_loop3A_186] {strides = array<i32>} : memref<16384xi32, #tpu.memory_space<vmem>>, vector<16xi32>,
      %parallel_loop3A_188 = arith.constant 8192 : i32
      %parallel_loop3A_189 = vector.broadcast %parallel_loop3A_188 : i32 to vector<16xi32>
      %parallel_loop3A_190 = arith.muli %parallel_loop3A_187, %parallel_loop3A_189 : vector<16xi32>
      %parallel_loop3A_191 = vector.broadcast %add3A_35 : i32 to vector<16xi32>
      %parallel_loop3A_192 = arith.addi %parallel_loop3A_191, %parallel_loop3A_190 : vector<16xi32>
      %parallel_loop3A_193 = arith.constant 7 : i32
      %parallel_loop3A_194 = vector.broadcast %parallel_loop3A_193 : i32 to vector<16xi32>
      %parallel_loop3A_195 = arith.shrsi %parallel_loop3A_185, %parallel_loop3A_194 : vector<16xi32>
      %parallel_loop3A_196 = arith.constant 1024 : i32
      %parallel_loop3A_197 = vector.broadcast %parallel_loop3A_196 : i32 to vector<16xi32>
      %parallel_loop3A_198 = arith.muli %parallel_loop3A_195, %parallel_loop3A_197 : vector<16xi32>
      %parallel_loop3A_199 = arith.addi %parallel_loop3A_192, %parallel_loop3A_198 : vector<16xi32>
      %parallel_loop3A_200 = arith.constant 127 : i32
      %parallel_loop3A_201 = vector.broadcast %parallel_loop3A_200 : i32 to vector<16xi32>
      %parallel_loop3A_202 = arith.andi %parallel_loop3A_185, %parallel_loop3A_201 : vector<16xi32>
      %parallel_loop3A_203 = arith.addi %parallel_loop3A_199, %parallel_loop3A_202 : vector<16xi32>
      %parallel_loop3A_204 = arith.index_cast %parallel_loop3A_180 : i32 to index
      %parallel_loop3A_205 = tpu.vector_load %arg11[%parallel_loop3A_204] {strides = array<i32>} : memref<16384xi32, #tpu.memory_space<vmem>>, vector<16xi32>,
      tpu.vector_store %arg11[%parallel_loop3A_204], %parallel_loop3A_203 {strides = array<i32>} : memref<16384xi32, #tpu.memory_space<vmem>>, vector<16xi32>,
    } {sc.loop_unroll_factor = 8 : i64, sc.parallel_access}
    %dma_start3A = arith.constant 0 : i32
    %dma_start3A_38 = tpu.memref_slice %arg13[%dma_start3A] : memref<16384xf32, #tpu.memory_space<vmem>> -> memref<2048xf32, #tpu.memory_space<vmem>>
    %dma_start3A_39 = arith.constant 0 : i32
    %dma_start3A_40 = tpu.memref_slice %arg11[%dma_start3A_39] : memref<16384xi32, #tpu.memory_space<vmem>> -> memref<2048xi32, #tpu.memory_space<vmem>>
    %dma_start3A_41 = arith.constant 0 : i32
    %dma_start3A_42 = tpu.memref_slice %arg6[%dma_start3A_41] : memref<32768000xf32, #tpu.memory_space<hbm>> -> memref<32768000xf32, #tpu.memory_space<hbm>>
    tpu.enqueue_indirect_dma source(%dma_start3A_42 : memref<32768000xf32, #tpu.memory_space<hbm>>) target(%dma_start3A_38 : memref<2048xf32, #tpu.memory_space<vmem>>) offsets(%dma_start3A_40 : memref<2048xi32, #tpu.memory_space<vmem>>) semaphore(%arg16 : memref<!tpu.dma_semaphore, #tpu.memory_space<semaphore_mem>>)
    %parallel_loop3A_43 = arith.constant 2048 : i32
    %parallel_loop3A_44 = arith.constant 4096 : i32
    %parallel_loop3A_45 = arith.constant 16 : i32
    scf.for %parallel_loop3A_180 = %parallel_loop3A_43 to %parallel_loop3A_44 step %parallel_loop3A_45  : i32 {
      %parallel_loop3A_181 = arith.index_cast %parallel_loop3A_180 : i32 to index
      %parallel_loop3A_182 = tpu.vector_load %arg10[%parallel_loop3A_181] {strides = array<i32>} : memref<16384xi32, #tpu.memory_space<vmem>>, vector<16xi32>,
      %parallel_loop3A_183 = arith.constant 33 : i32
      %parallel_loop3A_184 = vector.broadcast %parallel_loop3A_183 : i32 to vector<16xi32>
      %parallel_loop3A_185 = arith.muli %parallel_loop3A_182, %parallel_loop3A_184 : vector<16xi32>
      %parallel_loop3A_186 = arith.index_cast %parallel_loop3A_180 : i32 to index
      %parallel_loop3A_187 = tpu.vector_load %arg9[%parallel_loop3A_186] {strides = array<i32>} : memref<16384xi32, #tpu.memory_space<vmem>>, vector<16xi32>,
      %parallel_loop3A_188 = arith.constant 8192 : i32
      %parallel_loop3A_189 = vector.broadcast %parallel_loop3A_188 : i32 to vector<16xi32>
      %parallel_loop3A_190 = arith.muli %parallel_loop3A_187, %parallel_loop3A_189 : vector<16xi32>
      %parallel_loop3A_191 = vector.broadcast %add3A_35 : i32 to vector<16xi32>
      %parallel_loop3A_192 = arith.addi %parallel_loop3A_191, %parallel_loop3A_190 : vector<16xi32>
      %parallel_loop3A_193 = arith.constant 7 : i32
      %parallel_loop3A_194 = vector.broadcast %parallel_loop3A_193 : i32 to vector<16xi32>
      %parallel_loop3A_195 = arith.shrsi %parallel_loop3A_185, %parallel_loop3A_194 : vector<16xi32>
      %parallel_loop3A_196 = arith.constant 1024 : i32
      %parallel_loop3A_197 = vector.broadcast %parallel_loop3A_196 : i32 to vector<16xi32>
      %parallel_loop3A_198 = arith.muli %parallel_loop3A_195, %parallel_loop3A_197 : vector<16xi32>
      %parallel_loop3A_199 = arith.addi %parallel_loop3A_192, %parallel_loop3A_198 : vector<16xi32>
      %parallel_loop3A_200 = arith.constant 127 : i32
      %parallel_loop3A_201 = vector.broadcast %parallel_loop3A_200 : i32 to vector<16xi32>
      %parallel_loop3A_202 = arith.andi %parallel_loop3A_185, %parallel_loop3A_201 : vector<16xi32>
      %parallel_loop3A_203 = arith.addi %parallel_loop3A_199, %parallel_loop3A_202 : vector<16xi32>
      %parallel_loop3A_204 = arith.index_cast %parallel_loop3A_180 : i32 to index
      %parallel_loop3A_205 = tpu.vector_load %arg11[%parallel_loop3A_204] {strides = array<i32>} : memref<16384xi32, #tpu.memory_space<vmem>>, vector<16xi32>,
      tpu.vector_store %arg11[%parallel_loop3A_204], %parallel_loop3A_203 {strides = array<i32>} : memref<16384xi32, #tpu.memory_space<vmem>>, vector<16xi32>,
    } {sc.loop_unroll_factor = 8 : i64, sc.parallel_access}
    %dma_start3A_46 = arith.constant 2048 : i32
    %dma_start3A_47 = tpu.memref_slice %arg13[%dma_start3A_46] : memref<16384xf32, #tpu.memory_space<vmem>> -> memref<2048xf32, #tpu.memory_space<vmem>>
    %dma_start3A_48 = arith.constant 2048 : i32
    %dma_start3A_49 = tpu.memref_slice %arg11[%dma_start3A_48] : memref<16384xi32, #tpu.memory_space<vmem>> -> memref<2048xi32, #tpu.memory_space<vmem>>
    %dma_start3A_50 = arith.constant 0 : i32
    %dma_start3A_51 = tpu.memref_slice %arg6[%dma_start3A_50] : memref<32768000xf32, #tpu.memory_space<hbm>> -> memref<32768000xf32, #tpu.memory_space<hbm>>
    tpu.enqueue_indirect_dma source(%dma_start3A_51 : memref<32768000xf32, #tpu.memory_space<hbm>>) target(%dma_start3A_47 : memref<2048xf32, #tpu.memory_space<vmem>>) offsets(%dma_start3A_49 : memref<2048xi32, #tpu.memory_space<vmem>>) semaphore(%arg16 : memref<!tpu.dma_semaphore, #tpu.memory_space<semaphore_mem>>)
    %parallel_loop3A_52 = arith.constant 4096 : i32
    %parallel_loop3A_53 = arith.constant 6144 : i32
    %parallel_loop3A_54 = arith.constant 16 : i32
    scf.for %parallel_loop3A_180 = %parallel_loop3A_52 to %parallel_loop3A_53 step %parallel_loop3A_54  : i32 {
      %parallel_loop3A_181 = arith.index_cast %parallel_loop3A_180 : i32 to index
      %parallel_loop3A_182 = tpu.vector_load %arg10[%parallel_loop3A_181] {strides = array<i32>} : memref<16384xi32, #tpu.memory_space<vmem>>, vector<16xi32>,
      %parallel_loop3A_183 = arith.constant 33 : i32
      %parallel_loop3A_184 = vector.broadcast %parallel_loop3A_183 : i32 to vector<16xi32>
      %parallel_loop3A_185 = arith.muli %parallel_loop3A_182, %parallel_loop3A_184 : vector<16xi32>
      %parallel_loop3A_186 = arith.index_cast %parallel_loop3A_180 : i32 to index
      %parallel_loop3A_187 = tpu.vector_load %arg9[%parallel_loop3A_186] {strides = array<i32>} : memref<16384xi32, #tpu.memory_space<vmem>>, vector<16xi32>,
      %parallel_loop3A_188 = arith.constant 8192 : i32
      %parallel_loop3A_189 = vector.broadcast %parallel_loop3A_188 : i32 to vector<16xi32>
      %parallel_loop3A_190 = arith.muli %parallel_loop3A_187, %parallel_loop3A_189 : vector<16xi32>
      %parallel_loop3A_191 = vector.broadcast %add3A_35 : i32 to vector<16xi32>
      %parallel_loop3A_192 = arith.addi %parallel_loop3A_191, %parallel_loop3A_190 : vector<16xi32>
      %parallel_loop3A_193 = arith.constant 7 : i32
      %parallel_loop3A_194 = vector.broadcast %parallel_loop3A_193 : i32 to vector<16xi32>
      %parallel_loop3A_195 = arith.shrsi %parallel_loop3A_185, %parallel_loop3A_194 : vector<16xi32>
      %parallel_loop3A_196 = arith.constant 1024 : i32
      %parallel_loop3A_197 = vector.broadcast %parallel_loop3A_196 : i32 to vector<16xi32>
      %parallel_loop3A_198 = arith.muli %parallel_loop3A_195, %parallel_loop3A_197 : vector<16xi32>
      %parallel_loop3A_199 = arith.addi %parallel_loop3A_192, %parallel_loop3A_198 : vector<16xi32>
      %parallel_loop3A_200 = arith.constant 127 : i32
      %parallel_loop3A_201 = vector.broadcast %parallel_loop3A_200 : i32 to vector<16xi32>
      %parallel_loop3A_202 = arith.andi %parallel_loop3A_185, %parallel_loop3A_201 : vector<16xi32>
      %parallel_loop3A_203 = arith.addi %parallel_loop3A_199, %parallel_loop3A_202 : vector<16xi32>
      %parallel_loop3A_204 = arith.index_cast %parallel_loop3A_180 : i32 to index
      %parallel_loop3A_205 = tpu.vector_load %arg11[%parallel_loop3A_204] {strides = array<i32>} : memref<16384xi32, #tpu.memory_space<vmem>>, vector<16xi32>,
      tpu.vector_store %arg11[%parallel_loop3A_204], %parallel_loop3A_203 {strides = array<i32>} : memref<16384xi32, #tpu.memory_space<vmem>>, vector<16xi32>,
    } {sc.loop_unroll_factor = 8 : i64, sc.parallel_access}
    %dma_start3A_55 = arith.constant 4096 : i32
    %dma_start3A_56 = tpu.memref_slice %arg13[%dma_start3A_55] : memref<16384xf32, #tpu.memory_space<vmem>> -> memref<2048xf32, #tpu.memory_space<vmem>>
    %dma_start3A_57 = arith.constant 4096 : i32
    %dma_start3A_58 = tpu.memref_slice %arg11[%dma_start3A_57] : memref<16384xi32, #tpu.memory_space<vmem>> -> memref<2048xi32, #tpu.memory_space<vmem>>
    %dma_start3A_59 = arith.constant 0 : i32
    %dma_start3A_60 = tpu.memref_slice %arg6[%dma_start3A_59] : memref<32768000xf32, #tpu.memory_space<hbm>> -> memref<32768000xf32, #tpu.memory_space<hbm>>
    tpu.enqueue_indirect_dma source(%dma_start3A_60 : memref<32768000xf32, #tpu.memory_space<hbm>>) target(%dma_start3A_56 : memref<2048xf32, #tpu.memory_space<vmem>>) offsets(%dma_start3A_58 : memref<2048xi32, #tpu.memory_space<vmem>>) semaphore(%arg16 : memref<!tpu.dma_semaphore, #tpu.memory_space<semaphore_mem>>)
    %parallel_loop3A_61 = arith.constant 6144 : i32
    %parallel_loop3A_62 = arith.constant 8192 : i32
    %parallel_loop3A_63 = arith.constant 16 : i32
    scf.for %parallel_loop3A_180 = %parallel_loop3A_61 to %parallel_loop3A_62 step %parallel_loop3A_63  : i32 {
      %parallel_loop3A_181 = arith.index_cast %parallel_loop3A_180 : i32 to index
      %parallel_loop3A_182 = tpu.vector_load %arg10[%parallel_loop3A_181] {strides = array<i32>} : memref<16384xi32, #tpu.memory_space<vmem>>, vector<16xi32>,
      %parallel_loop3A_183 = arith.constant 33 : i32
      %parallel_loop3A_184 = vector.broadcast %parallel_loop3A_183 : i32 to vector<16xi32>
      %parallel_loop3A_185 = arith.muli %parallel_loop3A_182, %parallel_loop3A_184 : vector<16xi32>
      %parallel_loop3A_186 = arith.index_cast %parallel_loop3A_180 : i32 to index
      %parallel_loop3A_187 = tpu.vector_load %arg9[%parallel_loop3A_186] {strides = array<i32>} : memref<16384xi32, #tpu.memory_space<vmem>>, vector<16xi32>,
      %parallel_loop3A_188 = arith.constant 8192 : i32
      %parallel_loop3A_189 = vector.broadcast %parallel_loop3A_188 : i32 to vector<16xi32>
      %parallel_loop3A_190 = arith.muli %parallel_loop3A_187, %parallel_loop3A_189 : vector<16xi32>
      %parallel_loop3A_191 = vector.broadcast %add3A_35 : i32 to vector<16xi32>
      %parallel_loop3A_192 = arith.addi %parallel_loop3A_191, %parallel_loop3A_190 : vector<16xi32>
      %parallel_loop3A_193 = arith.constant 7 : i32
      %parallel_loop3A_194 = vector.broadcast %parallel_loop3A_193 : i32 to vector<16xi32>
      %parallel_loop3A_195 = arith.shrsi %parallel_loop3A_185, %parallel_loop3A_194 : vector<16xi32>
      %parallel_loop3A_196 = arith.constant 1024 : i32
      %parallel_loop3A_197 = vector.broadcast %parallel_loop3A_196 : i32 to vector<16xi32>
      %parallel_loop3A_198 = arith.muli %parallel_loop3A_195, %parallel_loop3A_197 : vector<16xi32>
      %parallel_loop3A_199 = arith.addi %parallel_loop3A_192, %parallel_loop3A_198 : vector<16xi32>
      %parallel_loop3A_200 = arith.constant 127 : i32
      %parallel_loop3A_201 = vector.broadcast %parallel_loop3A_200 : i32 to vector<16xi32>
      %parallel_loop3A_202 = arith.andi %parallel_loop3A_185, %parallel_loop3A_201 : vector<16xi32>
      %parallel_loop3A_203 = arith.addi %parallel_loop3A_199, %parallel_loop3A_202 : vector<16xi32>
      %parallel_loop3A_204 = arith.index_cast %parallel_loop3A_180 : i32 to index
      %parallel_loop3A_205 = tpu.vector_load %arg11[%parallel_loop3A_204] {strides = array<i32>} : memref<16384xi32, #tpu.memory_space<vmem>>, vector<16xi32>,
      tpu.vector_store %arg11[%parallel_loop3A_204], %parallel_loop3A_203 {strides = array<i32>} : memref<16384xi32, #tpu.memory_space<vmem>>, vector<16xi32>,
    } {sc.loop_unroll_factor = 8 : i64, sc.parallel_access}
    %dma_start3A_64 = arith.constant 6144 : i32
    %dma_start3A_65 = tpu.memref_slice %arg13[%dma_start3A_64] : memref<16384xf32, #tpu.memory_space<vmem>> -> memref<2048xf32, #tpu.memory_space<vmem>>
    %dma_start3A_66 = arith.constant 6144 : i32
    %dma_start3A_67 = tpu.memref_slice %arg11[%dma_start3A_66] : memref<16384xi32, #tpu.memory_space<vmem>> -> memref<2048xi32, #tpu.memory_space<vmem>>
    %dma_start3A_68 = arith.constant 0 : i32
    %dma_start3A_69 = tpu.memref_slice %arg6[%dma_start3A_68] : memref<32768000xf32, #tpu.memory_space<hbm>> -> memref<32768000xf32, #tpu.memory_space<hbm>>
    tpu.enqueue_indirect_dma source(%dma_start3A_69 : memref<32768000xf32, #tpu.memory_space<hbm>>) target(%dma_start3A_65 : memref<2048xf32, #tpu.memory_space<vmem>>) offsets(%dma_start3A_67 : memref<2048xi32, #tpu.memory_space<vmem>>) semaphore(%arg16 : memref<!tpu.dma_semaphore, #tpu.memory_space<semaphore_mem>>)
    %parallel_loop3A_70 = arith.constant 8192 : i32
    %parallel_loop3A_71 = arith.constant 10240 : i32
    %parallel_loop3A_72 = arith.constant 16 : i32
    scf.for %parallel_loop3A_180 = %parallel_loop3A_70 to %parallel_loop3A_71 step %parallel_loop3A_72  : i32 {
      %parallel_loop3A_181 = arith.index_cast %parallel_loop3A_180 : i32 to index
      %parallel_loop3A_182 = tpu.vector_load %arg10[%parallel_loop3A_181] {strides = array<i32>} : memref<16384xi32, #tpu.memory_space<vmem>>, vector<16xi32>,
      %parallel_loop3A_183 = arith.constant 33 : i32
      %parallel_loop3A_184 = vector.broadcast %parallel_loop3A_183 : i32 to vector<16xi32>
      %parallel_loop3A_185 = arith.muli %parallel_loop3A_182, %parallel_loop3A_184 : vector<16xi32>
      %parallel_loop3A_186 = arith.index_cast %parallel_loop3A_180 : i32 to index
      %parallel_loop3A_187 = tpu.vector_load %arg9[%parallel_loop3A_186] {strides = array<i32>} : memref<16384xi32, #tpu.memory_space<vmem>>, vector<16xi32>,
      %parallel_loop3A_188 = arith.constant 8192 : i32
      %parallel_loop3A_189 = vector.broadcast %parallel_loop3A_188 : i32 to vector<16xi32>
      %parallel_loop3A_190 = arith.muli %parallel_loop3A_187, %parallel_loop3A_189 : vector<16xi32>
      %parallel_loop3A_191 = vector.broadcast %add3A_35 : i32 to vector<16xi32>
      %parallel_loop3A_192 = arith.addi %parallel_loop3A_191, %parallel_loop3A_190 : vector<16xi32>
      %parallel_loop3A_193 = arith.constant 7 : i32
      %parallel_loop3A_194 = vector.broadcast %parallel_loop3A_193 : i32 to vector<16xi32>
      %parallel_loop3A_195 = arith.shrsi %parallel_loop3A_185, %parallel_loop3A_194 : vector<16xi32>
      %parallel_loop3A_196 = arith.constant 1024 : i32
      %parallel_loop3A_197 = vector.broadcast %parallel_loop3A_196 : i32 to vector<16xi32>
      %parallel_loop3A_198 = arith.muli %parallel_loop3A_195, %parallel_loop3A_197 : vector<16xi32>
      %parallel_loop3A_199 = arith.addi %parallel_loop3A_192, %parallel_loop3A_198 : vector<16xi32>
      %parallel_loop3A_200 = arith.constant 127 : i32
      %parallel_loop3A_201 = vector.broadcast %parallel_loop3A_200 : i32 to vector<16xi32>
      %parallel_loop3A_202 = arith.andi %parallel_loop3A_185, %parallel_loop3A_201 : vector<16xi32>
      %parallel_loop3A_203 = arith.addi %parallel_loop3A_199, %parallel_loop3A_202 : vector<16xi32>
      %parallel_loop3A_204 = arith.index_cast %parallel_loop3A_180 : i32 to index
      %parallel_loop3A_205 = tpu.vector_load %arg11[%parallel_loop3A_204] {strides = array<i32>} : memref<16384xi32, #tpu.memory_space<vmem>>, vector<16xi32>,
      tpu.vector_store %arg11[%parallel_loop3A_204], %parallel_loop3A_203 {strides = array<i32>} : memref<16384xi32, #tpu.memory_space<vmem>>, vector<16xi32>,
    } {sc.loop_unroll_factor = 8 : i64, sc.parallel_access}
    %dma_start3A_73 = arith.constant 8192 : i32
    %dma_start3A_74 = tpu.memref_slice %arg13[%dma_start3A_73] : memref<16384xf32, #tpu.memory_space<vmem>> -> memref<2048xf32, #tpu.memory_space<vmem>>
    %dma_start3A_75 = arith.constant 8192 : i32
    %dma_start3A_76 = tpu.memref_slice %arg11[%dma_start3A_75] : memref<16384xi32, #tpu.memory_space<vmem>> -> memref<2048xi32, #tpu.memory_space<vmem>>
    %dma_start3A_77 = arith.constant 0 : i32
    %dma_start3A_78 = tpu.memref_slice %arg6[%dma_start3A_77] : memref<32768000xf32, #tpu.memory_space<hbm>> -> memref<32768000xf32, #tpu.memory_space<hbm>>
    tpu.enqueue_indirect_dma source(%dma_start3A_78 : memref<32768000xf32, #tpu.memory_space<hbm>>) target(%dma_start3A_74 : memref<2048xf32, #tpu.memory_space<vmem>>) offsets(%dma_start3A_76 : memref<2048xi32, #tpu.memory_space<vmem>>) semaphore(%arg16 : memref<!tpu.dma_semaphore, #tpu.memory_space<semaphore_mem>>)
    %parallel_loop3A_79 = arith.constant 10240 : i32
    %parallel_loop3A_80 = arith.constant 12288 : i32
    %parallel_loop3A_81 = arith.constant 16 : i32
    scf.for %parallel_loop3A_180 = %parallel_loop3A_79 to %parallel_loop3A_80 step %parallel_loop3A_81  : i32 {
      %parallel_loop3A_181 = arith.index_cast %parallel_loop3A_180 : i32 to index
      %parallel_loop3A_182 = tpu.vector_load %arg10[%parallel_loop3A_181] {strides = array<i32>} : memref<16384xi32, #tpu.memory_space<vmem>>, vector<16xi32>,
      %parallel_loop3A_183 = arith.constant 33 : i32
      %parallel_loop3A_184 = vector.broadcast %parallel_loop3A_183 : i32 to vector<16xi32>
      %parallel_loop3A_185 = arith.muli %parallel_loop3A_182, %parallel_loop3A_184 : vector<16xi32>
      %parallel_loop3A_186 = arith.index_cast %parallel_loop3A_180 : i32 to index
      %parallel_loop3A_187 = tpu.vector_load %arg9[%parallel_loop3A_186] {strides = array<i32>} : memref<16384xi32, #tpu.memory_space<vmem>>, vector<16xi32>,
      %parallel_loop3A_188 = arith.constant 8192 : i32
      %parallel_loop3A_189 = vector.broadcast %parallel_loop3A_188 : i32 to vector<16xi32>
      %parallel_loop3A_190 = arith.muli %parallel_loop3A_187, %parallel_loop3A_189 : vector<16xi32>
      %parallel_loop3A_191 = vector.broadcast %add3A_35 : i32 to vector<16xi32>
      %parallel_loop3A_192 = arith.addi %parallel_loop3A_191, %parallel_loop3A_190 : vector<16xi32>
      %parallel_loop3A_193 = arith.constant 7 : i32
      %parallel_loop3A_194 = vector.broadcast %parallel_loop3A_193 : i32 to vector<16xi32>
      %parallel_loop3A_195 = arith.shrsi %parallel_loop3A_185, %parallel_loop3A_194 : vector<16xi32>
      %parallel_loop3A_196 = arith.constant 1024 : i32
      %parallel_loop3A_197 = vector.broadcast %parallel_loop3A_196 : i32 to vector<16xi32>
      %parallel_loop3A_198 = arith.muli %parallel_loop3A_195, %parallel_loop3A_197 : vector<16xi32>
      %parallel_loop3A_199 = arith.addi %parallel_loop3A_192, %parallel_loop3A_198 : vector<16xi32>
      %parallel_loop3A_200 = arith.constant 127 : i32
      %parallel_loop3A_201 = vector.broadcast %parallel_loop3A_200 : i32 to vector<16xi32>
      %parallel_loop3A_202 = arith.andi %parallel_loop3A_185, %parallel_loop3A_201 : vector<16xi32>
      %parallel_loop3A_203 = arith.addi %parallel_loop3A_199, %parallel_loop3A_202 : vector<16xi32>
      %parallel_loop3A_204 = arith.index_cast %parallel_loop3A_180 : i32 to index
      %parallel_loop3A_205 = tpu.vector_load %arg11[%parallel_loop3A_204] {strides = array<i32>} : memref<16384xi32, #tpu.memory_space<vmem>>, vector<16xi32>,
      tpu.vector_store %arg11[%parallel_loop3A_204], %parallel_loop3A_203 {strides = array<i32>} : memref<16384xi32, #tpu.memory_space<vmem>>, vector<16xi32>,
    } {sc.loop_unroll_factor = 8 : i64, sc.parallel_access}
    %dma_start3A_82 = arith.constant 10240 : i32
    %dma_start3A_83 = tpu.memref_slice %arg13[%dma_start3A_82] : memref<16384xf32, #tpu.memory_space<vmem>> -> memref<2048xf32, #tpu.memory_space<vmem>>
    %dma_start3A_84 = arith.constant 10240 : i32
    %dma_start3A_85 = tpu.memref_slice %arg11[%dma_start3A_84] : memref<16384xi32, #tpu.memory_space<vmem>> -> memref<2048xi32, #tpu.memory_space<vmem>>
    %dma_start3A_86 = arith.constant 0 : i32
    %dma_start3A_87 = tpu.memref_slice %arg6[%dma_start3A_86] : memref<32768000xf32, #tpu.memory_space<hbm>> -> memref<32768000xf32, #tpu.memory_space<hbm>>
    tpu.enqueue_indirect_dma source(%dma_start3A_87 : memref<32768000xf32, #tpu.memory_space<hbm>>) target(%dma_start3A_83 : memref<2048xf32, #tpu.memory_space<vmem>>) offsets(%dma_start3A_85 : memref<2048xi32, #tpu.memory_space<vmem>>) semaphore(%arg16 : memref<!tpu.dma_semaphore, #tpu.memory_space<semaphore_mem>>)
    %parallel_loop3A_88 = arith.constant 12288 : i32
    %parallel_loop3A_89 = arith.constant 14336 : i32
    %parallel_loop3A_90 = arith.constant 16 : i32
    scf.for %parallel_loop3A_180 = %parallel_loop3A_88 to %parallel_loop3A_89 step %parallel_loop3A_90  : i32 {
      %parallel_loop3A_181 = arith.index_cast %parallel_loop3A_180 : i32 to index
      %parallel_loop3A_182 = tpu.vector_load %arg10[%parallel_loop3A_181] {strides = array<i32>} : memref<16384xi32, #tpu.memory_space<vmem>>, vector<16xi32>,
      %parallel_loop3A_183 = arith.constant 33 : i32
      %parallel_loop3A_184 = vector.broadcast %parallel_loop3A_183 : i32 to vector<16xi32>
      %parallel_loop3A_185 = arith.muli %parallel_loop3A_182, %parallel_loop3A_184 : vector<16xi32>
      %parallel_loop3A_186 = arith.index_cast %parallel_loop3A_180 : i32 to index
      %parallel_loop3A_187 = tpu.vector_load %arg9[%parallel_loop3A_186] {strides = array<i32>} : memref<16384xi32, #tpu.memory_space<vmem>>, vector<16xi32>,
      %parallel_loop3A_188 = arith.constant 8192 : i32
      %parallel_loop3A_189 = vector.broadcast %parallel_loop3A_188 : i32 to vector<16xi32>
      %parallel_loop3A_190 = arith.muli %parallel_loop3A_187, %parallel_loop3A_189 : vector<16xi32>
      %parallel_loop3A_191 = vector.broadcast %add3A_35 : i32 to vector<16xi32>
      %parallel_loop3A_192 = arith.addi %parallel_loop3A_191, %parallel_loop3A_190 : vector<16xi32>
      %parallel_loop3A_193 = arith.constant 7 : i32
      %parallel_loop3A_194 = vector.broadcast %parallel_loop3A_193 : i32 to vector<16xi32>
      %parallel_loop3A_195 = arith.shrsi %parallel_loop3A_185, %parallel_loop3A_194 : vector<16xi32>
      %parallel_loop3A_196 = arith.constant 1024 : i32
      %parallel_loop3A_197 = vector.broadcast %parallel_loop3A_196 : i32 to vector<16xi32>
      %parallel_loop3A_198 = arith.muli %parallel_loop3A_195, %parallel_loop3A_197 : vector<16xi32>
      %parallel_loop3A_199 = arith.addi %parallel_loop3A_192, %parallel_loop3A_198 : vector<16xi32>
      %parallel_loop3A_200 = arith.constant 127 : i32
      %parallel_loop3A_201 = vector.broadcast %parallel_loop3A_200 : i32 to vector<16xi32>
      %parallel_loop3A_202 = arith.andi %parallel_loop3A_185, %parallel_loop3A_201 : vector<16xi32>
      %parallel_loop3A_203 = arith.addi %parallel_loop3A_199, %parallel_loop3A_202 : vector<16xi32>
      %parallel_loop3A_204 = arith.index_cast %parallel_loop3A_180 : i32 to index
      %parallel_loop3A_205 = tpu.vector_load %arg11[%parallel_loop3A_204] {strides = array<i32>} : memref<16384xi32, #tpu.memory_space<vmem>>, vector<16xi32>,
      tpu.vector_store %arg11[%parallel_loop3A_204], %parallel_loop3A_203 {strides = array<i32>} : memref<16384xi32, #tpu.memory_space<vmem>>, vector<16xi32>,
    } {sc.loop_unroll_factor = 8 : i64, sc.parallel_access}
    %dma_start3A_91 = arith.constant 12288 : i32
    %dma_start3A_92 = tpu.memref_slice %arg13[%dma_start3A_91] : memref<16384xf32, #tpu.memory_space<vmem>> -> memref<2048xf32, #tpu.memory_space<vmem>>
    %dma_start3A_93 = arith.constant 12288 : i32
    %dma_start3A_94 = tpu.memref_slice %arg11[%dma_start3A_93] : memref<16384xi32, #tpu.memory_space<vmem>> -> memref<2048xi32, #tpu.memory_space<vmem>>
    %dma_start3A_95 = arith.constant 0 : i32
    %dma_start3A_96 = tpu.memref_slice %arg6[%dma_start3A_95] : memref<32768000xf32, #tpu.memory_space<hbm>> -> memref<32768000xf32, #tpu.memory_space<hbm>>
    tpu.enqueue_indirect_dma source(%dma_start3A_96 : memref<32768000xf32, #tpu.memory_space<hbm>>) target(%dma_start3A_92 : memref<2048xf32, #tpu.memory_space<vmem>>) offsets(%dma_start3A_94 : memref<2048xi32, #tpu.memory_space<vmem>>) semaphore(%arg16 : memref<!tpu.dma_semaphore, #tpu.memory_space<semaphore_mem>>)
    %parallel_loop3A_97 = arith.constant 14336 : i32
    %parallel_loop3A_98 = arith.constant 16384 : i32
    %parallel_loop3A_99 = arith.constant 16 : i32
    scf.for %parallel_loop3A_180 = %parallel_loop3A_97 to %parallel_loop3A_98 step %parallel_loop3A_99  : i32 {
      %parallel_loop3A_181 = arith.index_cast %parallel_loop3A_180 : i32 to index
      %parallel_loop3A_182 = tpu.vector_load %arg10[%parallel_loop3A_181] {strides = array<i32>} : memref<16384xi32, #tpu.memory_space<vmem>>, vector<16xi32>,
      %parallel_loop3A_183 = arith.constant 33 : i32
      %parallel_loop3A_184 = vector.broadcast %parallel_loop3A_183 : i32 to vector<16xi32>
      %parallel_loop3A_185 = arith.muli %parallel_loop3A_182, %parallel_loop3A_184 : vector<16xi32>
      %parallel_loop3A_186 = arith.index_cast %parallel_loop3A_180 : i32 to index
      %parallel_loop3A_187 = tpu.vector_load %arg9[%parallel_loop3A_186] {strides = array<i32>} : memref<16384xi32, #tpu.memory_space<vmem>>, vector<16xi32>,
      %parallel_loop3A_188 = arith.constant 8192 : i32
      %parallel_loop3A_189 = vector.broadcast %parallel_loop3A_188 : i32 to vector<16xi32>
      %parallel_loop3A_190 = arith.muli %parallel_loop3A_187, %parallel_loop3A_189 : vector<16xi32>
      %parallel_loop3A_191 = vector.broadcast %add3A_35 : i32 to vector<16xi32>
      %parallel_loop3A_192 = arith.addi %parallel_loop3A_191, %parallel_loop3A_190 : vector<16xi32>
      %parallel_loop3A_193 = arith.constant 7 : i32
      %parallel_loop3A_194 = vector.broadcast %parallel_loop3A_193 : i32 to vector<16xi32>
      %parallel_loop3A_195 = arith.shrsi %parallel_loop3A_185, %parallel_loop3A_194 : vector<16xi32>
      %parallel_loop3A_196 = arith.constant 1024 : i32
      %parallel_loop3A_197 = vector.broadcast %parallel_loop3A_196 : i32 to vector<16xi32>
      %parallel_loop3A_198 = arith.muli %parallel_loop3A_195, %parallel_loop3A_197 : vector<16xi32>
      %parallel_loop3A_199 = arith.addi %parallel_loop3A_192, %parallel_loop3A_198 : vector<16xi32>
      %parallel_loop3A_200 = arith.constant 127 : i32
      %parallel_loop3A_201 = vector.broadcast %parallel_loop3A_200 : i32 to vector<16xi32>
      %parallel_loop3A_202 = arith.andi %parallel_loop3A_185, %parallel_loop3A_201 : vector<16xi32>
      %parallel_loop3A_203 = arith.addi %parallel_loop3A_199, %parallel_loop3A_202 : vector<16xi32>
      %parallel_loop3A_204 = arith.index_cast %parallel_loop3A_180 : i32 to index
      %parallel_loop3A_205 = tpu.vector_load %arg11[%parallel_loop3A_204] {strides = array<i32>} : memref<16384xi32, #tpu.memory_space<vmem>>, vector<16xi32>,
      tpu.vector_store %arg11[%parallel_loop3A_204], %parallel_loop3A_203 {strides = array<i32>} : memref<16384xi32, #tpu.memory_space<vmem>>, vector<16xi32>,
    } {sc.loop_unroll_factor = 8 : i64, sc.parallel_access}
    %dma_start3A_100 = arith.constant 14336 : i32
    %dma_start3A_101 = tpu.memref_slice %arg13[%dma_start3A_100] : memref<16384xf32, #tpu.memory_space<vmem>> -> memref<2048xf32, #tpu.memory_space<vmem>>
    %dma_start3A_102 = arith.constant 14336 : i32
    %dma_start3A_103 = tpu.memref_slice %arg11[%dma_start3A_102] : memref<16384xi32, #tpu.memory_space<vmem>> -> memref<2048xi32, #tpu.memory_space<vmem>>
    %dma_start3A_104 = arith.constant 0 : i32
    %dma_start3A_105 = tpu.memref_slice %arg6[%dma_start3A_104] : memref<32768000xf32, #tpu.memory_space<hbm>> -> memref<32768000xf32, #tpu.memory_space<hbm>>
    tpu.enqueue_indirect_dma source(%dma_start3A_105 : memref<32768000xf32, #tpu.memory_space<hbm>>) target(%dma_start3A_101 : memref<2048xf32, #tpu.memory_space<vmem>>) offsets(%dma_start3A_103 : memref<2048xi32, #tpu.memory_space<vmem>>) semaphore(%arg16 : memref<!tpu.dma_semaphore, #tpu.memory_space<semaphore_mem>>)
    "tpu.region"() ({
      %run_scoped3A = tpu.sem_alloc : memref<!tpu.dma_semaphore, #tpu.memory_space<semaphore_mem>>
      tpu.enqueue_dma source(%arg2 : memref<16384xi32, #tpu.memory_space<hbm>>) target(%arg10 : memref<16384xi32, #tpu.memory_space<vmem>>) target_semaphore(%run_scoped3A : memref<!tpu.dma_semaphore, #tpu.memory_space<semaphore_mem>>)
      tpu.wait_dma2 semaphore(%run_scoped3A : memref<!tpu.dma_semaphore, #tpu.memory_space<semaphore_mem>>) src(%arg2 : memref<16384xi32, #tpu.memory_space<hbm>>) dst(%arg10 : memref<16384xi32, #tpu.memory_space<vmem>>)
      tpu.yield
    }) : () -> ()
    "tpu.region"() ({
      %run_scoped3A = tpu.sem_alloc : memref<!tpu.dma_semaphore, #tpu.memory_space<semaphore_mem>>
      %dma_start3A_180 = arith.constant 0 : i32
      %dma_start3A_181 = tpu.memref_slice %arg5[%add3A, %dma_start3A_180] : memref<32x1024xf32, #tpu.memory_space<hbm>> -> memref<1x1024xf32, #tpu.memory_space<hbm>>
      %dma_start3A_182 = tpu.memref_squeeze %dma_start3A_181 : memref<1x1024xf32, #tpu.memory_space<hbm>> -> memref<1024xf32, #tpu.memory_space<hbm>>
      %dma_start3A_183 = arith.constant 0 : i32
      %dma_start3A_184 = tpu.memref_slice %arg5[%add3A, %dma_start3A_183] : memref<32x1024xf32, #tpu.memory_space<hbm>> -> memref<1x1024xf32, #tpu.memory_space<hbm>>
      %dma_start3A_185 = tpu.memref_squeeze %dma_start3A_184 : memref<1x1024xf32, #tpu.memory_space<hbm>> -> memref<1024xf32, #tpu.memory_space<hbm>>
      tpu.enqueue_dma source(%dma_start3A_185 : memref<1024xf32, #tpu.memory_space<hbm>>) target(%arg14 : memref<1024xf32, #tpu.memory_space<vmem>>) target_semaphore(%run_scoped3A : memref<!tpu.dma_semaphore, #tpu.memory_space<semaphore_mem>>)
      %dma_wait3A_186 = arith.constant 0 : i32
      %dma_wait3A_187 = tpu.memref_slice %arg5[%add3A, %dma_wait3A_186] : memref<32x1024xf32, #tpu.memory_space<hbm>> -> memref<1x1024xf32, #tpu.memory_space<hbm>>
      %dma_wait3A_188 = tpu.memref_squeeze %dma_wait3A_187 : memref<1x1024xf32, #tpu.memory_space<hbm>> -> memref<1024xf32, #tpu.memory_space<hbm>>
      %dma_wait3A_189 = arith.constant 0 : i32
      %dma_wait3A_190 = tpu.memref_slice %arg5[%add3A, %dma_wait3A_189] : memref<32x1024xf32, #tpu.memory_space<hbm>> -> memref<1x1024xf32, #tpu.memory_space<hbm>>
      %dma_wait3A_191 = tpu.memref_squeeze %dma_wait3A_190 : memref<1x1024xf32, #tpu.memory_space<hbm>> -> memref<1024xf32, #tpu.memory_space<hbm>>
      tpu.wait_dma2 semaphore(%run_scoped3A : memref<!tpu.dma_semaphore, #tpu.memory_space<semaphore_mem>>) src(%dma_wait3A_191 : memref<1024xf32, #tpu.memory_space<hbm>>) dst(%arg14 : memref<1024xf32, #tpu.memory_space<vmem>>)
      tpu.yield
    }) : () -> ()
    %parallel_loop3A_106 = arith.constant 0 : i32
    %parallel_loop3A_107 = arith.constant 16384 : i32
    %parallel_loop3A_108 = arith.constant 16 : i32
    scf.for %parallel_loop3A_180 = %parallel_loop3A_106 to %parallel_loop3A_107 step %parallel_loop3A_108  : i32 {
      %parallel_loop3A_181 = arith.index_cast %parallel_loop3A_180 : i32 to index
      %parallel_loop3A_182 = tpu.vector_load %arg10[%parallel_loop3A_181] {strides = array<i32>} : memref<16384xi32, #tpu.memory_space<vmem>>, vector<16xi32>,
      %parallel_loop3A_183 = tpu.vector_load_idx %arg14[%parallel_loop3A_182] : memref<1024xf32, #tpu.memory_space<vmem>>[vector<16xi32>], vector<16xf32>,
      %parallel_loop3A_184 = arith.index_cast %parallel_loop3A_180 : i32 to index
      %parallel_loop3A_185 = tpu.vector_load %arg12[%parallel_loop3A_184] {strides = array<i32>} : memref<16384xf32, #tpu.memory_space<vmem>>, vector<16xf32>,
      tpu.vector_store %arg12[%parallel_loop3A_184], %parallel_loop3A_183 {strides = array<i32>} : memref<16384xf32, #tpu.memory_space<vmem>>, vector<16xf32>,
    } {sc.loop_unroll_factor = 8 : i64, sc.parallel_access}
    %dma_start3A_109 = arith.constant 0 : i32
    %dma_start3A_110 = tpu.memref_slice %arg7[%add3A, %dma_start3A_109] : memref<32x16384xf32, #tpu.memory_space<hbm>> -> memref<1x16384xf32, #tpu.memory_space<hbm>>
    %dma_start3A_111 = tpu.memref_squeeze %dma_start3A_110 : memref<1x16384xf32, #tpu.memory_space<hbm>> -> memref<16384xf32, #tpu.memory_space<hbm>>
    %dma_start3A_112 = arith.constant 0 : i32
    %dma_start3A_113 = tpu.memref_slice %arg7[%add3A, %dma_start3A_112] : memref<32x16384xf32, #tpu.memory_space<hbm>> -> memref<1x16384xf32, #tpu.memory_space<hbm>>
    %dma_start3A_114 = tpu.memref_squeeze %dma_start3A_113 : memref<1x16384xf32, #tpu.memory_space<hbm>> -> memref<16384xf32, #tpu.memory_space<hbm>>
    tpu.enqueue_dma source(%arg12 : memref<16384xf32, #tpu.memory_space<vmem>>) target(%dma_start3A_114 : memref<16384xf32, #tpu.memory_space<hbm>>) target_semaphore(%arg15 : memref<!tpu.dma_semaphore, #tpu.memory_space<semaphore_mem>>)
    %dma_wait3A = arith.constant 0 : i32
    %dma_wait3A_115 = tpu.memref_slice %arg13[%dma_wait3A] : memref<16384xf32, #tpu.memory_space<vmem>> -> memref<2048xf32, #tpu.memory_space<vmem>>
    %dma_wait3A_116 = arith.constant 0 : i32
    %dma_wait3A_117 = tpu.memref_slice %arg11[%dma_wait3A_116] : memref<16384xi32, #tpu.memory_space<vmem>> -> memref<2048xi32, #tpu.memory_space<vmem>>
    %dma_wait3A_118 = arith.constant 0 : i32
    %dma_wait3A_119 = tpu.memref_slice %arg6[%dma_wait3A_118] : memref<32768000xf32, #tpu.memory_space<hbm>> -> memref<32768000xf32, #tpu.memory_space<hbm>>
    tpu.wait_indirect_dma semaphore(%arg16 : memref<!tpu.dma_semaphore, #tpu.memory_space<semaphore_mem>>) src(%dma_wait3A_119 : memref<32768000xf32, #tpu.memory_space<hbm>>) dst(%dma_wait3A_115 : memref<2048xf32, #tpu.memory_space<vmem>>)
    %dma_wait3A_120 = arith.constant 2048 : i32
    %dma_wait3A_121 = tpu.memref_slice %arg13[%dma_wait3A_120] : memref<16384xf32, #tpu.memory_space<vmem>> -> memref<2048xf32, #tpu.memory_space<vmem>>
    %dma_wait3A_122 = arith.constant 2048 : i32
    %dma_wait3A_123 = tpu.memref_slice %arg11[%dma_wait3A_122] : memref<16384xi32, #tpu.memory_space<vmem>> -> memref<2048xi32, #tpu.memory_space<vmem>>
    %dma_wait3A_124 = arith.constant 0 : i32
    %dma_wait3A_125 = tpu.memref_slice %arg6[%dma_wait3A_124] : memref<32768000xf32, #tpu.memory_space<hbm>> -> memref<32768000xf32, #tpu.memory_space<hbm>>
    tpu.wait_indirect_dma semaphore(%arg16 : memref<!tpu.dma_semaphore, #tpu.memory_space<semaphore_mem>>) src(%dma_wait3A_125 : memref<32768000xf32, #tpu.memory_space<hbm>>) dst(%dma_wait3A_121 : memref<2048xf32, #tpu.memory_space<vmem>>)
    %dma_wait3A_126 = arith.constant 4096 : i32
    %dma_wait3A_127 = tpu.memref_slice %arg13[%dma_wait3A_126] : memref<16384xf32, #tpu.memory_space<vmem>> -> memref<2048xf32, #tpu.memory_space<vmem>>
    %dma_wait3A_128 = arith.constant 4096 : i32
    %dma_wait3A_129 = tpu.memref_slice %arg11[%dma_wait3A_128] : memref<16384xi32, #tpu.memory_space<vmem>> -> memref<2048xi32, #tpu.memory_space<vmem>>
    %dma_wait3A_130 = arith.constant 0 : i32
    %dma_wait3A_131 = tpu.memref_slice %arg6[%dma_wait3A_130] : memref<32768000xf32, #tpu.memory_space<hbm>> -> memref<32768000xf32, #tpu.memory_space<hbm>>
    tpu.wait_indirect_dma semaphore(%arg16 : memref<!tpu.dma_semaphore, #tpu.memory_space<semaphore_mem>>) src(%dma_wait3A_131 : memref<32768000xf32, #tpu.memory_space<hbm>>) dst(%dma_wait3A_127 : memref<2048xf32, #tpu.memory_space<vmem>>)
    %dma_wait3A_132 = arith.constant 6144 : i32
    %dma_wait3A_133 = tpu.memref_slice %arg13[%dma_wait3A_132] : memref<16384xf32, #tpu.memory_space<vmem>> -> memref<2048xf32, #tpu.memory_space<vmem>>
    %dma_wait3A_134 = arith.constant 6144 : i32
    %dma_wait3A_135 = tpu.memref_slice %arg11[%dma_wait3A_134] : memref<16384xi32, #tpu.memory_space<vmem>> -> memref<2048xi32, #tpu.memory_space<vmem>>
    %dma_wait3A_136 = arith.constant 0 : i32
    %dma_wait3A_137 = tpu.memref_slice %arg6[%dma_wait3A_136] : memref<32768000xf32, #tpu.memory_space<hbm>> -> memref<32768000xf32, #tpu.memory_space<hbm>>
    tpu.wait_indirect_dma semaphore(%arg16 : memref<!tpu.dma_semaphore, #tpu.memory_space<semaphore_mem>>) src(%dma_wait3A_137 : memref<32768000xf32, #tpu.memory_space<hbm>>) dst(%dma_wait3A_133 : memref<2048xf32, #tpu.memory_space<vmem>>)
    %dma_wait3A_138 = arith.constant 8192 : i32
    %dma_wait3A_139 = tpu.memref_slice %arg13[%dma_wait3A_138] : memref<16384xf32, #tpu.memory_space<vmem>> -> memref<2048xf32, #tpu.memory_space<vmem>>
    %dma_wait3A_140 = arith.constant 8192 : i32
    %dma_wait3A_141 = tpu.memref_slice %arg11[%dma_wait3A_140] : memref<16384xi32, #tpu.memory_space<vmem>> -> memref<2048xi32, #tpu.memory_space<vmem>>
    %dma_wait3A_142 = arith.constant 0 : i32
    %dma_wait3A_143 = tpu.memref_slice %arg6[%dma_wait3A_142] : memref<32768000xf32, #tpu.memory_space<hbm>> -> memref<32768000xf32, #tpu.memory_space<hbm>>
    tpu.wait_indirect_dma semaphore(%arg16 : memref<!tpu.dma_semaphore, #tpu.memory_space<semaphore_mem>>) src(%dma_wait3A_143 : memref<32768000xf32, #tpu.memory_space<hbm>>) dst(%dma_wait3A_139 : memref<2048xf32, #tpu.memory_space<vmem>>)
    %dma_wait3A_144 = arith.constant 10240 : i32
    %dma_wait3A_145 = tpu.memref_slice %arg13[%dma_wait3A_144] : memref<16384xf32, #tpu.memory_space<vmem>> -> memref<2048xf32, #tpu.memory_space<vmem>>
    %dma_wait3A_146 = arith.constant 10240 : i32
    %dma_wait3A_147 = tpu.memref_slice %arg11[%dma_wait3A_146] : memref<16384xi32, #tpu.memory_space<vmem>> -> memref<2048xi32, #tpu.memory_space<vmem>>
    %dma_wait3A_148 = arith.constant 0 : i32
    %dma_wait3A_149 = tpu.memref_slice %arg6[%dma_wait3A_148] : memref<32768000xf32, #tpu.memory_space<hbm>> -> memref<32768000xf32, #tpu.memory_space<hbm>>
    tpu.wait_indirect_dma semaphore(%arg16 : memref<!tpu.dma_semaphore, #tpu.memory_space<semaphore_mem>>) src(%dma_wait3A_149 : memref<32768000xf32, #tpu.memory_space<hbm>>) dst(%dma_wait3A_145 : memref<2048xf32, #tpu.memory_space<vmem>>)
    %dma_wait3A_150 = arith.constant 12288 : i32
    %dma_wait3A_151 = tpu.memref_slice %arg13[%dma_wait3A_150] : memref<16384xf32, #tpu.memory_space<vmem>> -> memref<2048xf32, #tpu.memory_space<vmem>>
    %dma_wait3A_152 = arith.constant 12288 : i32
    %dma_wait3A_153 = tpu.memref_slice %arg11[%dma_wait3A_152] : memref<16384xi32, #tpu.memory_space<vmem>> -> memref<2048xi32, #tpu.memory_space<vmem>>
    %dma_wait3A_154 = arith.constant 0 : i32
    %dma_wait3A_155 = tpu.memref_slice %arg6[%dma_wait3A_154] : memref<32768000xf32, #tpu.memory_space<hbm>> -> memref<32768000xf32, #tpu.memory_space<hbm>>
    tpu.wait_indirect_dma semaphore(%arg16 : memref<!tpu.dma_semaphore, #tpu.memory_space<semaphore_mem>>) src(%dma_wait3A_155 : memref<32768000xf32, #tpu.memory_space<hbm>>) dst(%dma_wait3A_151 : memref<2048xf32, #tpu.memory_space<vmem>>)
    %dma_wait3A_156 = arith.constant 14336 : i32
    %dma_wait3A_157 = tpu.memref_slice %arg13[%dma_wait3A_156] : memref<16384xf32, #tpu.memory_space<vmem>> -> memref<2048xf32, #tpu.memory_space<vmem>>
    %dma_wait3A_158 = arith.constant 14336 : i32
    %dma_wait3A_159 = tpu.memref_slice %arg11[%dma_wait3A_158] : memref<16384xi32, #tpu.memory_space<vmem>> -> memref<2048xi32, #tpu.memory_space<vmem>>
    %dma_wait3A_160 = arith.constant 0 : i32
    %dma_wait3A_161 = tpu.memref_slice %arg6[%dma_wait3A_160] : memref<32768000xf32, #tpu.memory_space<hbm>> -> memref<32768000xf32, #tpu.memory_space<hbm>>
    tpu.wait_indirect_dma semaphore(%arg16 : memref<!tpu.dma_semaphore, #tpu.memory_space<semaphore_mem>>) src(%dma_wait3A_161 : memref<32768000xf32, #tpu.memory_space<hbm>>) dst(%dma_wait3A_157 : memref<2048xf32, #tpu.memory_space<vmem>>)
    %dma_start3A_162 = arith.constant 0 : i32
    %dma_start3A_163 = tpu.memref_slice %arg8[%add3A, %dma_start3A_162] : memref<32x16384xf32, #tpu.memory_space<hbm>> -> memref<1x16384xf32, #tpu.memory_space<hbm>>
    %dma_start3A_164 = tpu.memref_squeeze %dma_start3A_163 : memref<1x16384xf32, #tpu.memory_space<hbm>> -> memref<16384xf32, #tpu.memory_space<hbm>>
    %dma_start3A_165 = arith.constant 0 : i32
    %dma_start3A_166 = tpu.memref_slice %arg8[%add3A, %dma_start3A_165] : memref<32x16384xf32, #tpu.memory_space<hbm>> -> memref<1x16384xf32, #tpu.memory_space<hbm>>
    %dma_start3A_167 = tpu.memref_squeeze %dma_start3A_166 : memref<1x16384xf32, #tpu.memory_space<hbm>> -> memref<16384xf32, #tpu.memory_space<hbm>>
    tpu.enqueue_dma source(%arg13 : memref<16384xf32, #tpu.memory_space<vmem>>) target(%dma_start3A_167 : memref<16384xf32, #tpu.memory_space<hbm>>) target_semaphore(%arg16 : memref<!tpu.dma_semaphore, #tpu.memory_space<semaphore_mem>>)
    %dma_wait3A_168 = arith.constant 0 : i32
    %dma_wait3A_169 = tpu.memref_slice %arg7[%add3A, %dma_wait3A_168] : memref<32x16384xf32, #tpu.memory_space<hbm>> -> memref<1x16384xf32, #tpu.memory_space<hbm>>
    %dma_wait3A_170 = tpu.memref_squeeze %dma_wait3A_169 : memref<1x16384xf32, #tpu.memory_space<hbm>> -> memref<16384xf32, #tpu.memory_space<hbm>>
    %dma_wait3A_171 = arith.constant 0 : i32
    %dma_wait3A_172 = tpu.memref_slice %arg7[%add3A, %dma_wait3A_171] : memref<32x16384xf32, #tpu.memory_space<hbm>> -> memref<1x16384xf32, #tpu.memory_space<hbm>>
    %dma_wait3A_173 = tpu.memref_squeeze %dma_wait3A_172 : memref<1x16384xf32, #tpu.memory_space<hbm>> -> memref<16384xf32, #tpu.memory_space<hbm>>
    tpu.wait_dma2 semaphore(%arg15 : memref<!tpu.dma_semaphore, #tpu.memory_space<semaphore_mem>>) src(%arg12 : memref<16384xf32, #tpu.memory_space<vmem>>) dst(%dma_wait3A_173 : memref<16384xf32, #tpu.memory_space<hbm>>)
    %dma_wait3A_174 = arith.constant 0 : i32
    %dma_wait3A_175 = tpu.memref_slice %arg8[%add3A, %dma_wait3A_174] : memref<32x16384xf32, #tpu.memory_space<hbm>> -> memref<1x16384xf32, #tpu.memory_space<hbm>>
    %dma_wait3A_176 = tpu.memref_squeeze %dma_wait3A_175 : memref<1x16384xf32, #tpu.memory_space<hbm>> -> memref<16384xf32, #tpu.memory_space<hbm>>
    %dma_wait3A_177 = arith.constant 0 : i32
    %dma_wait3A_178 = tpu.memref_slice %arg8[%add3A, %dma_wait3A_177] : memref<32x16384xf32, #tpu.memory_space<hbm>> -> memref<1x16384xf32, #tpu.memory_space<hbm>>
    %dma_wait3A_179 = tpu.memref_squeeze %dma_wait3A_178 : memref<1x16384xf32, #tpu.memory_space<hbm>> -> memref<16384xf32, #tpu.memory_space<hbm>>
    tpu.wait_dma2 semaphore(%arg16 : memref<!tpu.dma_semaphore, #tpu.memory_space<semaphore_mem>>) src(%arg13 : memref<16384xf32, #tpu.memory_space<vmem>>) dst(%dma_wait3A_179 : memref<16384xf32, #tpu.memory_space<hbm>>)
    return
  }
}

</mosaic_0001>

<sc_bundles>
// kernel: kernel.3.cloned.1.call-start
scs
__scs_entry_jumppad:
0x0: {  	(pc) =	sbr.rel $0x88, $3  }
0x1: {  	(tag) =	ssettag $0x0;
	lr =	simm.s32 $0x1  }
0x2: {  	[smem:$0x3F9C] =	sst lr;
	_ =	strace $0xD0000000  }
0x3: {  	_ = 	snop  }
0x4: {  	_ = 	snop  }
0x5: {  	_ = 	snop  }
0x6: {  	_ = 	snop  }
0x7: {  	_ = 	snop  }
__scs_overlays_trampoline_lowered:
0x8: {  	[smem:$0x3FAB] =	sst s0  }
0x9: {  	[smem:$0x3FAC] =	sst s1  }
0xa: {  	[smem:$0x3FAD] =	sst s2  }
0xb: {  	[smem:$0x3FAE] =	sst s3  }
0xc: {  	[smem:$0x3FAF] =	sst s4  }
0xd: {  	[smem:$0x3FB0] =	sst s5  }
0xe: {  	[smem:$0x3FB1] =	sst s6  }
0xf: {  	[smem:$0x3FB2] =	sst s7  }
0x10: {  	[smem:$0x3FB3] =	sst s8  }
0x11: {  	[smem:$0x3FB4] =	sst s9;
	s0 =	simm.s32 @!p0 $0x0  }
0x12: {  	s1 =	sld [smem:$0x3F9A];
	s0 =	simm.s32 @p0 $0x1  }
0x13: {  	[smem:$0x3FB5] =	sst s0;
	s0 =	simm.s32 @!p1 $0x0  }
0x14: {  	s2 =	sld [smem:$0x3F99];
	s0 =	simm.s32 @p1 $0x1  }
0x15: {  	[smem:$0x3FB6] =	sst s0;
	s0 =	simm.s32 @!p2 $0x0  }
0x16: {  	s3 =	sld [smem:$0x3FDB];
	s0 =	simm.s32 @p2 $0x1  }
0x17: {  	s4 =	simm.s32 $0x1BF5;
	[smem:$0x3FB8] =	sst s0  }
0x18: {  	s0 =	sld [smem:$0x3F9B];
	_ =	swait.ge [sflag:s4], $0x0  }
0x19: {  	s7 =	sld [smem:$0x3F9C]  }
0x1a: {  	s8 =	sadd.s32 $0xFFFFE003, lr  }
0x1b: {  	s9 =	sadd.s32 $0xFFFFFEF7, lr;
	s5 =	simm.s32 $0xFFFFFFFF;
	p2 =	slt.u32 s8, $0xFFFFF086  }
0x1c: {  	p1 =	slt.u32 s9, $0xF7A;
	s5 =	simm.s32 @!p2 $0x0  }
0x1d: {  	s5 =	simm.s32 @p1 $0x1;
	p0 =	seq.s32 s7, s2  }
0x1e: {  	s7 =	smul.u32 @!p0 $0xF7A, s2;
	p2 =	seq.s32 @!p0 s5, $0x0  }
0x1f: {  	s9 =	smul.u32 $0xF7A, s1;
	s8 =	simm.s32 @!p0 $0x1BF5;
	p2 =	por !p2, p0  }
0x20: {  	[sflag:s8] =	ssyncset.s32 @!p0 $0xFFFFF086;
	s6 =	sadd.s32 @!p0 s3, s7;
	s7 =	simm.s32 @!p0 $0x108  }
0x21: {  	s3 =	sadd.s32 s3, s9;
	s6 =	sadd.s32 @!p0 $0x88, s6;
	s7 =	simm.s32 @p2 $0x1082  }
0x22: {  	[simem:s7], [sflag:s8] =	dma.local @!p0 [hbm:s6], $0xF7A  }
0x23: {  	s9 =	sor.u32 $0xD0000000, s2;
	s6 =	simm.s32 $0x108;
	_ =	swait.ge @!p0 [sflag:s8], $0x0  }
0x24: {  	s3 =	sadd.s32 $0x88, s3;
	s6 =	simm.s32 @!p1 $0x1082;
	[sflag:s4] =	ssyncset.s32 $0xFFFFF086  }
0x25: {  	[simem:s6], [sflag:s4] =	dma.local [hbm:s3], $0xF7A  }
0x26: {  	[smem:$0x3F9C] =	sst s1;
	(tag) =	ssettag s2;
	_ =	strace s9  }
0x27: {  	s1 =	sld [smem:$0x3FAC]  }
0x28: {  	s2 =	sld [smem:$0x3FAD]  }
0x29: {  	s4 =	sld [smem:$0x3FAF]  }
0x2a: {  	p0 =	seq.s32 s5, $0x0;
	s5 =	sld [smem:$0x3FB0]  }
0x2b: {  	s6 =	sld [smem:$0x3FB1]  }
0x2c: {  	s7 =	sld [smem:$0x3FB2]  }
0x2d: {  	s3 =	simm.s32 $0x108;
	s8 =	sld [smem:$0x3FB3]  }
0x2e: {  	s3 =	simm.s32 @!p0 $0x1082;
	s9 =	sld [smem:$0x3FB4]  }
0x2f: {  	lr =	sadd.s32 s0, s3;
	s0 =	sld [smem:$0x3FAB]  }
0x30: {  	s3 =	sld [smem:$0x3FAE]  }
0x31: {  	[smem:$0x3FB7] =	sst s10  }
0x32: {  	s10 =	sld [smem:$0x3FB5];
	_ =	sdelay $0x3  }
0x33: {  	p0 =	seq.s32 s10, $0x1;
	s10 =	sld [smem:$0x3FB7];
	_ =	sdelay $0x3  }
0x34: {  	[smem:$0x3FB7] =	sst s10  }
0x35: {  	s10 =	sld [smem:$0x3FB6];
	_ =	sdelay $0x3  }
0x36: {  	p1 =	seq.s32 s10, $0x1;
	s10 =	sld [smem:$0x3FB7];
	_ =	sdelay $0x3  }
0x37: {  	[smem:$0x3FB7] =	sst s10  }
0x38: {  	s10 =	sld [smem:$0x3FB8]  }
0x39: {  	_ = 	snop;
	(pc) =	sbr.ind lr, $3  }
0x3a: {  	_ = 	snop  }
0x3b: {  	_ = 	snop  }
0x3c: {  	p2 =	seq.s32 s10, $0x1;
	s10 =	sld [smem:$0x3FB7]  }
0x3d: {  	_ =	shalt  }
0x3e: {  	_ =	shalt  }
0x3f: {  	_ =	shalt  }
0x40: {  	_ =	shalt  }
0x41: {  	_ =	shalt  }
0x42: {  	_ =	shalt  }
0x43: {  	_ =	shalt  }
0x44: {  	_ =	shalt  }
0x45: {  	_ =	shalt  }
0x46: {  	_ =	shalt  }
0x47: {  	_ =	shalt  }
0x48: {  	_ =	shalt  }
0x49: {  	_ =	shalt  }
0x4a: {  	_ =	shalt  }
0x4b: {  	_ =	shalt  }
0x4c: {  	_ =	shalt  }
0x4d: {  	_ =	shalt  }
0x4e: {  	_ =	shalt  }
0x4f: {  	_ =	shalt  }
0x50: {  	_ =	shalt  }
0x51: {  	_ =	shalt  }
0x52: {  	_ =	shalt  }
0x53: {  	_ =	shalt  }
0x54: {  	_ =	shalt  }
0x55: {  	_ =	shalt  }
0x56: {  	_ =	shalt  }
0x57: {  	_ =	shalt  }
0x58: {  	_ =	shalt  }
0x59: {  	_ =	shalt  }
0x5a: {  	_ =	shalt  }
0x5b: {  	_ =	shalt  }
0x5c: {  	_ =	shalt  }
0x5d: {  	_ =	shalt  }
0x5e: {  	_ =	shalt  }
0x5f: {  	_ =	shalt  }
0x60: {  	_ =	shalt  }
0x61: {  	_ =	shalt  }
0x62: {  	_ =	shalt  }
0x63: {  	_ =	shalt  }
0x64: {  	_ =	shalt  }
0x65: {  	_ =	shalt  }
0x66: {  	_ =	shalt  }
0x67: {  	_ =	shalt  }
0x68: {  	_ =	shalt  }
0x69: {  	_ =	shalt  }
0x6a: {  	_ =	shalt  }
0x6b: {  	_ =	shalt  }
0x6c: {  	_ =	shalt  }
0x6d: {  	_ =	shalt  }
0x6e: {  	_ =	shalt  }
0x6f: {  	_ =	shalt  }
0x70: {  	_ =	shalt  }
0x71: {  	_ =	shalt  }
0x72: {  	_ =	shalt  }
0x73: {  	_ =	shalt  }
0x74: {  	_ =	shalt  }
0x75: {  	_ =	shalt  }
0x76: {  	_ =	shalt  }
0x77: {  	_ =	shalt  }
0x78: {  	_ =	shalt  }
0x79: {  	_ =	shalt  }
0x7a: {  	_ =	shalt  }
0x7b: {  	_ =	shalt  }
0x7c: {  	_ =	shalt  }
0x7d: {  	_ =	shalt  }
0x7e: {  	_ =	shalt  }
0x7f: {  	_ =	shalt  }
0x80: {  	_ =	shalt  }
0x81: {  	_ =	shalt  }
0x82: {  	_ =	shalt  }
0x83: {  	_ =	shalt  }
0x84: {  	_ =	shalt  }
0x85: {  	_ =	shalt  }
0x86: {  	_ =	shalt  }
0x87: {  	_ =	shalt  }
.Lfunc_end0:
.L_simem_size_0:
called_computation_lowered:
.L_overlay_start_0:
0x88: {  	s2 =	sld [smem:$0x3FD9]  }
0x89: {  	s3 =	sld [smem:$0x3FFE];
	_ =	sdelay $0x1  }
0x8a: {  	s1 =	srdreg.scid  }
0x8b: {  	s0 =	sand.u32 $0x1, s1  }
0x8c: {  	s14 =	sshll.u32 s0, $0xA;
	s2 =	sadd.s32 s3, s2  }
0x8d: {  	s2 =	sadd.s32 s2, s14  }
0x8e: {  	[smem:$0x3FC3] =	sst s2  }
0x8f: {  	_ = 	snop  }
0x90: {  	s2 =	sld [smem:$0x3FD0];
	_ =	sdelay $0x2  }
0x91: {  	s4 =	simm.s32 $0xA;
	s5 =	simm.s32 $0x10;
	s15 =	sld [smem:$0x3FC5]  }
0x92: {  	[smem:s5], [sflag:s4] =	dma.local [hbm:s2], $0x1  }
0x93: {  	_ =	swait.eq [sflag:s4], $0x1  }
0x94: {  	[sflag:s4] =	ssyncset.done $0x0  }
0x95: {  	s16 =	sld [smem:$0x10];
	[sflag:s4] =	ssyncadd.s32 $0xFFFFFFFF  }
0x96: {  	s17 =	sld [smem:$0x11];
	(tm) =	ssettm $0x1  }
0x97: {  	s18 =	sld [smem:$0x3FFB];
	_ =	sdelay $0x3  }
0x98: {  	_ =	strace s18  }
0x99: {  	s5 =	sld [smem:$0x3FFC];
	_ =	sdelay $0x3  }
0x9a: {  	_ =	strace s5  }
0x9b: {  	s5 =	sld [smem:$0x3FFD];
	_ =	sdelay $0x3  }
0x9c: {  	_ =	strace s5  }
0x9d: {  	_ =	strace $0x8FFFFFFF  }
0x9e: {  	s19 =	sld [smem:$0x3FDB];
	_ =	sdelay $0x1  }
0x9f: {  	s6 =	simm.s32 $_scs_section_size  }
0xa0: {  	s7 =	simm.s32 $_size__tile_overlayer_lowered;
	s8 =	simm.s32 $_tile_overlayer_lowered  }
0xa1: {  	s22 =	simm.s32 $0x1BFF;
	s21 =	sshll.u32 s8, $0x1;
	s5 =	sadd.s32 s6, s19  }
0xa2: {  	s9 =	simm.s32 $0x0;
	s20 =	sshll.u32 s7, $0x1;
	s7 =	sadd.s32 s21, s5  }
0xa3: {  	[timem:s9], [sflag:s22] =	dma.local [hbm:s7], s20  }
0xa4: {  	_ =	swait.ge [sflag:s22], s20  }
0xa5: {  	s6 =	ssub.s32 $0x0, s20;
	[sflag:s22] =	ssyncset.done $0x0  }
0xa6: {  	[sflag:s22] =	ssyncadd.s32 s6;
	_ =	sdelay $0x1  }
0xa7: {  	s23 =	simm.s32 $0x1B8B  }
0xa8: {  	_ =	swait.ge [sflag:s23], $0x1  }
0xa9: {  	[sflag:s23] =	ssyncset.done $0x0  }
0xaa: {  	s25 =	simm.s32 $0x1B8E;
	s24 =	sld [smem:$0x3FFE];
	[sflag:s23] =	ssyncadd.s32 $0xFFFFFFFF  }
0xab: {  	s26 =	simm.s32 $execute0_lowered;
	[smem:$0x3FD2] =	sst s25  }
0xac: {  	s7 =	sshll.u32 s26, $0x1;
	_ =	strace $0x80000046;
	[dreg:$0x1] =	wrdreg $0xFFFFFFFF  }
0xad: {  	s28 =	simm.s32 $_size_execute0_lowered;
	s5 =	sadd.s32 s5, s7;
	[dreg:$0x0] =	wrdreg $0x0  }
0xae: {  	s7 =	sshll.u32 s28, $0x1;
	[dreg:$0x2] =	wrdreg s5  }
0xaf: {  	[dreg:$0x3] =	wrdreg s7  }
0xb0: {  	[dreg:$0x4] =	wrdreg $0xC0  }
0xb1: {  	_ =	task [dreg:s9], $0x5FFFF  }
0xb2: {  	[dreg:$0x1] =	wrdreg $0xFFFFFFFF  }
0xb3: {  	[dreg:$0x0] =	wrdreg $0x60  }
0xb4: {  	[dreg:$0x2] =	wrdreg s24  }
0xb5: {  	[dreg:$0x3] =	wrdreg s16  }
0xb6: {  	[dreg:$0x4] =	wrdreg s15  }
0xb7: {  	[dreg:$0x5] =	wrdreg s17  }
0xb8: {  	[dreg:$0x6] =	wrdreg $0x9  }
0xb9: {  	_ =	task.clear_ibuf [dreg:s9], $0x7FFFF;
	_ =	strace $0x90000046  }
0xba: {  	s29 =	simm.s32 $0x9;
	_ =	strace $0x80000048  }
0xbb: {  	_ =	swait.ge [sflag:s29], $0x1  }
0xbc: {  	[sflag:s29] =	ssyncadd.s32 $0xFFFFFFFF  }
0xbd: {  	_ =	strace $0x90000048  }
0xbe: {  	_ =	sfence  }
0xbf: {  	s30 =	sld [smem:$0x0];
	_ =	sdelay $0x2  }
0xc0: {  	s31 =	sshll.u32 s1, $0xD;
	s1 =	sshrl.u32 s1, $0x2  }
0xc1: {  	s3 =	sand.u32 $0x4000, s31;
	s1 =	sadd.s32 s1, s30  }
0xc2: {  	s0 =	sor.u32 s3, s0;
	s1 =	sshll.u32 s1, $0x11  }
0xc3: {  	s0 =	sor.u32 s1, s0  }
0xc4: {  	s0 =	sadd.s32 $0x8F2B, s0  }
0xc5: {  	[sflag:s0] =	ssyncadd.remote.s32 $0x1  }
0xc6: {  	_ =	sfence.sel $0xFFFF  }
0xc7: {  	[dreg:$0x0] =	wrdreg $0xFFFFFFFF;
	(pc) =	sbr.abs _section_cstart, $3  }
0xc8: {  	[dreg:$0x1] =	wrdreg $0xFFFFFFFF  }
0xc9: {  	_ =	task.clear_ibuf [dreg:s9], $0x2FFFF;
	_ =	strace $0x9FFFFFFF  }
0xca: {  	(tm) =	ssettm $0x7FFFFFFF  }
0xcb: {  	_ =	shalt  }
tec
execute0_lowered:
.L_overlay_start_1:
0x0: {  	(tag) =	ssettag $0x1  }
0x1: {  	s0 =	rddreg [dreg:$0x0]  }
0x2: {  	s2 =	rddreg [dreg:$0x1]  }
0x3: {  	s1 =	rddreg [dreg:$0x2]  }
0x4: {  	s8 =	rddreg [dreg:$0x3]  }
0x5: {  	s3 =	simm.s32 $0x0;
	s4 =	srdreg.scid;
	s11 =	stileid.u32  }
0x6: {  	s15 =	simm.s32 $0x10000;
	s22 =	simm.s32 $0xA000;
	s23 =	simm.s32 $0x12000  }
0x7: {  	s24 =	simm.s32 $0xA800;
	s25 =	simm.s32 $0x12800;
	s26 =	simm.s32 $0xB000  }
0x8: {  	s28 =	simm.s32 $0x13000;
	s29 =	simm.s32 $0xB800;
	s30 =	simm.s32 $0x13800  }
0x9: {  	s31 =	simm.s32 $0x14000;
	s16 =	simm.s32 $0x0;
	[smem:$0x7FF] =	sst s3  }
0xa: {  	s7 =	sand.u32 $0x1, s4;
	s6 =	sshll.u32 s11, $0x1;
	s4 =	sadd.s32 $0xA00, s0  }
0xb: {  	s5 =	sadd.s32 $0x1200, s0;
	s11 =	sshrl.u32 s11, $0x2;
	_ =	strace $0x80000047  }
0xc: {  	s9 =	sor.u32 s7, s6;
	s6 =	sadd.s32 $0x1A00, s0;
	s7 =	ssub.s32 $0x2, s7  }
0xd: {  	s11 =	smul.u32 $0x7D0000, s11;
	s10 =	sshll.u32 s9, $0xB;
	s9 =	sshll.u32 s9, $0x7  }
0xe: {  	s12 =	sshrl.u32 s7, $0x1;
	s0 =	sadd.s32 s10, s0;
	s13 =	sand.u32 $0x380, s9  }
0xf: {  	s12 =	ssub.s32 s7, s12;
	s7 =	sadd.s32 s2, s9;
	s8 =	sadd.s32 s8, s10  }
0x10: {  	s2 =	simm.s32 $0x2;
	s14 =	sor.u32 s11, s13;
	s9 =	sadd.s32 $0x2200, s0  }
0x11: {  	s10 =	smax.u32 s12, $0x1;
	s11 =	simm.s32 $0x3;
	s12 =	simm.s32 $0x4000  }
0x12: {  	s13 =	simm.s32 $0x800;
	s0 =	simm.s32 $0xC000;
	v0 =	vmov s14;
	s14 =	simm.s32 $0x1  }
.LBB2_1:
0x13: {  	[tilespmem:s3], [sflag:$0x3] =	stream.linear.gather [hbm4b:s5+s3], $0x4000, $0x38;
	[tilespmem:$0x14400] =	vst v63  }
0x14: {  	_ =	swait.ge [sflag:s11], $0x4000  }
0x15: {  	[sflag:s11] =	ssyncset.done $0x0  }
0x16: {  	[sflag:s11] =	ssyncadd.s32 $0xFFFFC000  }
0x17: {  	[tilespmem:s12], [sflag:$0x3] =	stream.linear.gather [hbm4b:s6+s3], $0x4000, $0x38;
	[tilespmem:$0x14400] =	vst v63  }
0x18: {  	_ =	swait.ge [sflag:s11], $0x4000  }
0x19: {  	[sflag:s11] =	ssyncset.done $0x0  }
0x1a: {  	s18 =	simm.s32 $0x4040;
	[sflag:s11] =	ssyncadd.s32 $0xFFFFC000  }
0x1b: {  	s17 =	simm.s32 $0x40;
	v1 =	vld [tilespmem:s18+$0x30]  }
0x1c: {  	v2 =	vld [tilespmem:s17+$0x30]  }
0x1d: {  	v3 =	vld [tilespmem:s18+$0xFFFFFFD0]  }
0x1e: {  	v4 =	vld [tilespmem:s18+$0xFFFFFFE0]  }
0x1f: {  	v5 =	vld [tilespmem:s18+$0xFFFFFFF0]  }
0x20: {  	v6 =	vld [tilespmem:s18+$0x0]  }
0x21: {  	v13 =	vld [tilespmem:s17+$0xFFFFFFC0]  }
0x22: {  	v21 =	vld [tilespmem:s17+$0x10]  }
0x23: {  	v22 =	vld [tilespmem:s17+$0x20];
	_ =	sdelay $0x1  }
0x24: {  	v11 =	vld [tilespmem:s18+$0xFFFFFFC0];
	v7 =	vmul.u32 $0x108, v1;
	v1 =	vmul.u32 $0x21, v1;
	v2 =	vshll.u32 v2, $0xD  }
0x25: {  	v10 =	vmul.u32 $0x108, v3;
	v12 =	vmul.u32 $0x108, v4;
	v14 =	vmul.u32 $0x108, v5  }
0x26: {  	v8 =	vld [tilespmem:s18+$0x10];
	v4 =	vmul.u32 $0x21, v4;
	v17 =	vmul.u32 $0x108, v6;
	v13 =	vshll.u32 v13, $0xD  }
0x27: {  	v9 =	vld [tilespmem:s18+$0x20];
	v62 =	vshll.u32 v21, $0xD;
	v63 =	vshll.u32 v22, $0xD;
	v2 =	vadd.s32 v0, v2  }
0x28: {  	v15 =	vld [tilespmem:s17+$0xFFFFFFD0];
	v13 =	vadd.s32 v0, v13;
	v7 =	vand.u32 $0xFFFFFC00, v7;
	v19 =	vand.u32 $0xFFFFFC00, v10  }
0x29: {  	v18 =	vld [tilespmem:s17+$0xFFFFFFE0];
	v10 =	vmul.u32 $0x108, v11;
	v12 =	vand.u32 $0xFFFFFC00, v12;
	v14 =	vand.u32 $0xFFFFFC00, v14  }
0x2a: {  	v20 =	vld [tilespmem:s17+$0xFFFFFFF0];
	v17 =	vand.u32 $0xFFFFFC00, v17;
	v2 =	vadd.s32 v7, v2;
	v7 =	vand.u32 $0x7F, v1  }
0x2b: {  	v1 =	vmul.u32 $0x21, v3;
	v3 =	vmul.u32 $0x21, v5;
	v5 =	vmul.u32 $0x21, v6  }
0x2c: {  	v6 =	vmul.u32 $0x21, v9;
	v16 =	vor.u32 v7, v2;
	v7 =	vmul.u32 $0x21, v11;
	v11 =	vld [tilespmem:s17+$0x0]  }
0x2d: {  	v9 =	vmul.u32 $0x108, v9;
	v2 =	vmul.u32 $0x21, v8;
	v10 =	vand.u32 $0xFFFFFC00, v10  }
0x2e: {  	v8 =	vmul.u32 $0x108, v8;
	v10 =	vadd.s32 v10, v13;
	v13 =	vshll.u32 v15, $0xD  }
0x2f: {  	s18 =	simm.s32 $0x8040;
	v15 =	vshll.u32 v18, $0xD;
	v9 =	vand.u32 $0xFFFFFC00, v9;
	v18 =	vshll.u32 v20, $0xD  }
0x30: {  	[tilespmem:s18+$0x30] =	vst v16;
	v16 =	vadd.s32 v0, v63;
	v8 =	vand.u32 $0xFFFFFC00, v8;
	v13 =	vadd.s32 v0, v13  }
0x31: {  	v15 =	vadd.s32 v0, v15;
	v18 =	vadd.s32 v0, v18;
	v61 =	vshll.u32 v11, $0xD  }
0x32: {  	v14 =	vadd.s32 v14, v18;
	v11 =	vadd.s32 v19, v13;
	v19 =	vadd.s32 v0, v61  }
0x33: {  	s20 =	simm.s32 $0x0;
	s21 =	simm.s32 $0x40C0;
	s19 =	simm.s32 $0x8040;
	v13 =	vadd.s32 v12, v15;
	v15 =	vadd.s32 v0, v62;
	v12 =	vadd.s32 v17, v19  }
.LBB2_2:
0x34: {  	v17 =	vld [tilespmem:s21+$0x30];
	s20 =	sadd.s32 $0x80, s20;
	v7 =	vand.u32 $0x7F, v7;
	v8 =	vadd.s32 v8, v15;
	v9 =	vadd.s32 v9, v16;
	s17 =	sadd.s32 $0x80, s17  }
0x35: {  	v1 =	vand.u32 $0x7F, v1;
	v4 =	vand.u32 $0x7F, v4;
	v3 =	vand.u32 $0x7F, v3;
	v15 =	vld [tilespmem:s17+$0x30];
	p0 =	slt.u32 s20, $0x780  }
0x36: {  	v5 =	vand.u32 $0x7F, v5;
	v2 =	vand.u32 $0x7F, v2;
	v6 =	vand.u32 $0x7F, v6;
	v16 =	vld [tilespmem:s21+$0xFFFFFFD0]  }
0x37: {  	v7 =	vor.u32 v7, v10;
	v1 =	vor.u32 v1, v11;
	v4 =	vor.u32 v4, v13;
	v18 =	vld [tilespmem:s21+$0xFFFFFFE0]  }
0x38: {  	v3 =	vor.u32 v3, v14;
	v5 =	vor.u32 v5, v12;
	v2 =	vor.u32 v2, v8;
	v10 =	vld [tilespmem:s21+$0xFFFFFFF0];
	[tilespmem:s18+$0xFFFFFFC0] =	vst v7  }
0x39: {  	v6 =	vor.u32 v6, v9;
	v7 =	vld [tilespmem:s21+$0x0];
	v8 =	vmul.u32 $0x108, v17;
	[tilespmem:s18+$0xFFFFFFD0] =	vst v1  }
0x3a: {  	v1 =	vmul.u32 $0x21, v17;
	v9 =	vld [tilespmem:s21+$0x10];
	v11 =	vshll.u32 v15, $0xD;
	[tilespmem:s18+$0xFFFFFFE0] =	vst v4  }
0x3b: {  	v12 =	vmul.u32 $0x108, v16;
	v13 =	vld [tilespmem:s21+$0x20];
	v4 =	vadd.s32 v0, v11;
	v8 =	vand.u32 $0xFFFFFC00, v8;
	[tilespmem:s18+$0xFFFFFFF0] =	vst v3  }
0x3c: {  	v11 =	vld [tilespmem:s21+$0xFFFFFFC0];
	v14 =	vmul.u32 $0x108, v18;
	v3 =	vadd.s32 v8, v4;
	v4 =	vand.u32 $0x7F, v1;
	[tilespmem:s18+$0x0] =	vst v5  }
0x3d: {  	v1 =	vmul.u32 $0x21, v16;
	s18 =	sadd.s32 $0x80, s18;
	v8 =	vld [tilespmem:s17+$0xFFFFFFC0];
	v15 =	vmul.u32 $0x108, v10;
	v5 =	vor.u32 v4, v3;
	[tilespmem:s19+$0x10] =	vst v2  }
0x3e: {  	v4 =	vmul.u32 $0x21, v18;
	v3 =	vmul.u32 $0x21, v10;
	v16 =	vld [tilespmem:s17+$0xFFFFFFD0];
	v10 =	vmul.u32 $0x108, v7;
	[tilespmem:s18+$0x30] =	vst v5  }
0x3f: {  	v5 =	vmul.u32 $0x21, v7;
	v17 =	vld [tilespmem:s17+$0xFFFFFFE0];
	v2 =	vmul.u32 $0x21, v9;
	v9 =	vmul.u32 $0x108, v9;
	[tilespmem:s19+$0x20] =	vst v6;
	s19 =	smov.u32 s18  }
0x40: {  	v12 =	vand.u32 $0xFFFFFC00, v12;
	v18 =	vld [tilespmem:s17+$0xFFFFFFF0];
	v6 =	vmul.u32 $0x21, v13;
	v13 =	vmul.u32 $0x108, v13  }
0x41: {  	v14 =	vand.u32 $0xFFFFFC00, v14;
	v7 =	vmul.u32 $0x21, v11;
	v11 =	vmul.u32 $0x108, v11;
	v19 =	vld [tilespmem:s17+$0x0]  }
0x42: {  	v21 =	vand.u32 $0xFFFFFC00, v15;
	v22 =	vand.u32 $0xFFFFFC00, v10;
	v20 =	vshll.u32 v8, $0xD;
	v15 =	vld [tilespmem:s17+$0x10]  }
0x43: {  	v8 =	vand.u32 $0xFFFFFC00, v9;
	v10 =	vand.u32 $0xFFFFFC00, v11;
	v11 =	vshll.u32 v16, $0xD;
	v16 =	vld [tilespmem:s17+$0x20]  }
0x44: {  	v9 =	vand.u32 $0xFFFFFC00, v13;
	v20 =	vadd.s32 v0, v20;
	v17 =	vshll.u32 v17, $0xD  }
.Ltmp0:
0x45: {  	v11 =	vadd.s32 v0, v11;
	v13 =	vadd.s32 v0, v17;
	v17 =	vshll.u32 v18, $0xD;
	(pc) =	sbr.rel @p0 .LBB2_2-.Ltmp0, $4  }
0x46: {  	v10 =	vadd.s32 v10, v20;
	v17 =	vadd.s32 v0, v17;
	v18 =	vshll.u32 v19, $0xD  }
0x47: {  	v11 =	vadd.s32 v12, v11;
	v12 =	vadd.s32 v0, v18;
	v15 =	vshll.u32 v15, $0xD  }
0x48: {  	v13 =	vadd.s32 v14, v13;
	v15 =	vadd.s32 v0, v15;
	v16 =	vshll.u32 v16, $0xD  }
0x49: {  	s21 =	sadd.s32 $0x80, s21;
	v14 =	vadd.s32 v21, v17;
	v12 =	vadd.s32 v22, v12;
	v16 =	vadd.s32 v0, v16  }
0x4a: {  	v7 =	vand.u32 $0x7F, v7  }
0x4b: {  	v1 =	vand.u32 $0x7F, v1;
	v7 =	vor.u32 v7, v10  }
0x4c: {  	v4 =	vand.u32 $0x7F, v4;
	v1 =	vor.u32 v1, v11;
	[tilespmem:s18+$0xFFFFFFC0] =	vst v7  }
0x4d: {  	v3 =	vand.u32 $0x7F, v3;
	v4 =	vor.u32 v4, v13;
	[tilespmem:s18+$0xFFFFFFD0] =	vst v1  }
0x4e: {  	v3 =	vor.u32 v3, v14;
	v1 =	vand.u32 $0x7F, v5;
	[tilespmem:s18+$0xFFFFFFE0] =	vst v4  }
0x4f: {  	v2 =	vand.u32 $0x7F, v2;
	v4 =	vadd.s32 v8, v15;
	[tilespmem:s18+$0xFFFFFFF0] =	vst v3;
	v1 =	vor.u32 v1, v12  }
0x50: {  	v3 =	vadd.s32 v9, v16;
	v5 =	vand.u32 $0x7F, v6;
	v2 =	vor.u32 v2, v4;
	[tilespmem:s18+$0x0] =	vst v1  }
0x51: {  	v1 =	vor.u32 v5, v3;
	[tilespmem:s19+$0x10] =	vst v2  }
0x52: {  	s17 =	simm.s32 $0x8000;
	s21 =	simm.s32 $0x4870;
	[tilespmem:s19+$0x20] =	vst v1  }
0x53: {  	[tilespmem:s15], [sflag:$0x2] =	stream.indirect.gather [hbm4b:s1+s13], $0x1, s17, s13, $0xb8;
	[tilespmem:$0x14400] =	vst v63  }
0x54: {  	s17 =	simm.s32 $0x870;
	v1 =	vld [tilespmem:s21+$0x0]  }
0x55: {  	v2 =	vld [tilespmem:s17+$0x0]  }
0x56: {  	v3 =	vld [tilespmem:s21+$0xFFFFFFA0]  }
0x57: {  	v4 =	vld [tilespmem:s21+$0xFFFFFFB0]  }
0x58: {  	v5 =	vld [tilespmem:s21+$0xFFFFFFC0]  }
0x59: {  	v6 =	vld [tilespmem:s21+$0xFFFFFFD0]  }
0x5a: {  	v13 =	vld [tilespmem:s17+$0xFFFFFF90]  }
0x5b: {  	v21 =	vld [tilespmem:s17+$0xFFFFFFE0]  }
0x5c: {  	v22 =	vld [tilespmem:s17+$0xFFFFFFF0];
	_ =	sdelay $0x1  }
0x5d: {  	v11 =	vld [tilespmem:s21+$0xFFFFFF90];
	v7 =	vmul.u32 $0x108, v1;
	v1 =	vmul.u32 $0x21, v1;
	v2 =	vshll.u32 v2, $0xD  }
0x5e: {  	v10 =	vmul.u32 $0x108, v3;
	v12 =	vmul.u32 $0x108, v4;
	v14 =	vmul.u32 $0x108, v5  }
0x5f: {  	v8 =	vld [tilespmem:s21+$0xFFFFFFE0];
	v4 =	vmul.u32 $0x21, v4;
	v17 =	vmul.u32 $0x108, v6;
	v13 =	vshll.u32 v13, $0xD  }
0x60: {  	v9 =	vld [tilespmem:s21+$0xFFFFFFF0];
	v62 =	vshll.u32 v21, $0xD;
	v63 =	vshll.u32 v22, $0xD;
	v2 =	vadd.s32 v0, v2  }
0x61: {  	v15 =	vld [tilespmem:s17+$0xFFFFFFA0];
	v13 =	vadd.s32 v0, v13;
	v7 =	vand.u32 $0xFFFFFC00, v7;
	v19 =	vand.u32 $0xFFFFFC00, v10  }
0x62: {  	v18 =	vld [tilespmem:s17+$0xFFFFFFB0];
	v10 =	vmul.u32 $0x108, v11;
	v12 =	vand.u32 $0xFFFFFC00, v12;
	v14 =	vand.u32 $0xFFFFFC00, v14  }
0x63: {  	v20 =	vld [tilespmem:s17+$0xFFFFFFC0];
	v17 =	vand.u32 $0xFFFFFC00, v17;
	v2 =	vadd.s32 v7, v2;
	v7 =	vand.u32 $0x7F, v1  }
0x64: {  	v1 =	vmul.u32 $0x21, v3;
	v3 =	vmul.u32 $0x21, v5;
	v5 =	vmul.u32 $0x21, v6  }
0x65: {  	v6 =	vmul.u32 $0x21, v9;
	v16 =	vor.u32 v7, v2;
	v7 =	vmul.u32 $0x21, v11;
	v11 =	vld [tilespmem:s17+$0xFFFFFFD0]  }
0x66: {  	v9 =	vmul.u32 $0x108, v9;
	v2 =	vmul.u32 $0x21, v8;
	v10 =	vand.u32 $0xFFFFFC00, v10  }
0x67: {  	v8 =	vmul.u32 $0x108, v8;
	v10 =	vadd.s32 v10, v13;
	v13 =	vshll.u32 v15, $0xD  }
0x68: {  	s18 =	simm.s32 $0x8870;
	v15 =	vshll.u32 v18, $0xD;
	v9 =	vand.u32 $0xFFFFFC00, v9;
	v18 =	vshll.u32 v20, $0xD  }
0x69: {  	[tilespmem:s18+$0x0] =	vst v16;
	v16 =	vadd.s32 v0, v63;
	v8 =	vand.u32 $0xFFFFFC00, v8;
	v13 =	vadd.s32 v0, v13  }
0x6a: {  	v15 =	vadd.s32 v0, v15;
	v18 =	vadd.s32 v0, v18;
	v61 =	vshll.u32 v11, $0xD  }
0x6b: {  	v14 =	vadd.s32 v14, v18;
	v11 =	vadd.s32 v19, v13;
	v19 =	vadd.s32 v0, v61  }
0x6c: {  	s20 =	simm.s32 $0x800;
	s19 =	simm.s32 $0x8870;
	s21 =	simm.s32 $0x48F0;
	v13 =	vadd.s32 v12, v15;
	v15 =	vadd.s32 v0, v62;
	v12 =	vadd.s32 v17, v19  }
.LBB2_4:
0x6d: {  	v17 =	vld [tilespmem:s21+$0x0];
	s20 =	sadd.s32 $0x80, s20;
	v7 =	vand.u32 $0x7F, v7;
	v8 =	vadd.s32 v8, v15;
	v9 =	vadd.s32 v9, v16;
	s17 =	sadd.s32 $0x80, s17  }
0x6e: {  	v1 =	vand.u32 $0x7F, v1;
	v4 =	vand.u32 $0x7F, v4;
	v3 =	vand.u32 $0x7F, v3;
	v15 =	vld [tilespmem:s17+$0x0];
	p0 =	slt.u32 s20, $0xF80  }
0x6f: {  	v5 =	vand.u32 $0x7F, v5;
	v2 =	vand.u32 $0x7F, v2;
	v6 =	vand.u32 $0x7F, v6;
	v16 =	vld [tilespmem:s21+$0xFFFFFFA0]  }
0x70: {  	v7 =	vor.u32 v7, v10;
	v1 =	vor.u32 v1, v11;
	v4 =	vor.u32 v4, v13;
	v18 =	vld [tilespmem:s21+$0xFFFFFFB0]  }
0x71: {  	v3 =	vor.u32 v3, v14;
	v5 =	vor.u32 v5, v12;
	v2 =	vor.u32 v2, v8;
	v10 =	vld [tilespmem:s21+$0xFFFFFFC0];
	[tilespmem:s18+$0xFFFFFF90] =	vst v7  }
0x72: {  	v6 =	vor.u32 v6, v9;
	v7 =	vld [tilespmem:s21+$0xFFFFFFD0];
	v8 =	vmul.u32 $0x108, v17;
	[tilespmem:s18+$0xFFFFFFA0] =	vst v1  }
0x73: {  	v1 =	vmul.u32 $0x21, v17;
	v9 =	vld [tilespmem:s21+$0xFFFFFFE0];
	v11 =	vshll.u32 v15, $0xD;
	[tilespmem:s18+$0xFFFFFFB0] =	vst v4  }
0x74: {  	v12 =	vmul.u32 $0x108, v16;
	v13 =	vld [tilespmem:s21+$0xFFFFFFF0];
	v4 =	vadd.s32 v0, v11;
	v8 =	vand.u32 $0xFFFFFC00, v8;
	[tilespmem:s18+$0xFFFFFFC0] =	vst v3  }
0x75: {  	v11 =	vld [tilespmem:s21+$0xFFFFFF90];
	v14 =	vmul.u32 $0x108, v18;
	v3 =	vadd.s32 v8, v4;
	v4 =	vand.u32 $0x7F, v1;
	[tilespmem:s18+$0xFFFFFFD0] =	vst v5  }
0x76: {  	v1 =	vmul.u32 $0x21, v16;
	s18 =	sadd.s32 $0x80, s18;
	v8 =	vld [tilespmem:s17+$0xFFFFFF90];
	v15 =	vmul.u32 $0x108, v10;
	v5 =	vor.u32 v4, v3;
	[tilespmem:s19+$0xFFFFFFE0] =	vst v2  }
0x77: {  	v4 =	vmul.u32 $0x21, v18;
	v3 =	vmul.u32 $0x21, v10;
	v16 =	vld [tilespmem:s17+$0xFFFFFFA0];
	v10 =	vmul.u32 $0x108, v7;
	[tilespmem:s18+$0x0] =	vst v5  }
0x78: {  	v5 =	vmul.u32 $0x21, v7;
	v17 =	vld [tilespmem:s17+$0xFFFFFFB0];
	v2 =	vmul.u32 $0x21, v9;
	v9 =	vmul.u32 $0x108, v9;
	[tilespmem:s19+$0xFFFFFFF0] =	vst v6;
	s19 =	smov.u32 s18  }
0x79: {  	v12 =	vand.u32 $0xFFFFFC00, v12;
	v18 =	vld [tilespmem:s17+$0xFFFFFFC0];
	v6 =	vmul.u32 $0x21, v13;
	v13 =	vmul.u32 $0x108, v13  }
0x7a: {  	v14 =	vand.u32 $0xFFFFFC00, v14;
	v7 =	vmul.u32 $0x21, v11;
	v11 =	vmul.u32 $0x108, v11;
	v19 =	vld [tilespmem:s17+$0xFFFFFFD0]  }
0x7b: {  	v21 =	vand.u32 $0xFFFFFC00, v15;
	v22 =	vand.u32 $0xFFFFFC00, v10;
	v20 =	vshll.u32 v8, $0xD;
	v15 =	vld [tilespmem:s17+$0xFFFFFFE0]  }
0x7c: {  	v8 =	vand.u32 $0xFFFFFC00, v9;
	v10 =	vand.u32 $0xFFFFFC00, v11;
	v11 =	vshll.u32 v16, $0xD;
	v16 =	vld [tilespmem:s17+$0xFFFFFFF0]  }
0x7d: {  	v9 =	vand.u32 $0xFFFFFC00, v13;
	v20 =	vadd.s32 v0, v20;
	v17 =	vshll.u32 v17, $0xD  }
.Ltmp1:
0x7e: {  	v11 =	vadd.s32 v0, v11;
	v13 =	vadd.s32 v0, v17;
	v17 =	vshll.u32 v18, $0xD;
	(pc) =	sbr.rel @p0 .LBB2_4-.Ltmp1, $4  }
0x7f: {  	v10 =	vadd.s32 v10, v20;
	v17 =	vadd.s32 v0, v17;
	v18 =	vshll.u32 v19, $0xD  }
0x80: {  	v11 =	vadd.s32 v12, v11;
	v12 =	vadd.s32 v0, v18;
	v15 =	vshll.u32 v15, $0xD  }
0x81: {  	v13 =	vadd.s32 v14, v13;
	v15 =	vadd.s32 v0, v15;
	v16 =	vshll.u32 v16, $0xD  }
0x82: {  	s21 =	sadd.s32 $0x80, s21;
	v14 =	vadd.s32 v21, v17;
	v12 =	vadd.s32 v22, v12;
	v16 =	vadd.s32 v0, v16  }
0x83: {  	v7 =	vand.u32 $0x7F, v7  }
0x84: {  	v1 =	vand.u32 $0x7F, v1;
	v7 =	vor.u32 v7, v10  }
0x85: {  	v4 =	vand.u32 $0x7F, v4;
	v1 =	vor.u32 v1, v11;
	[tilespmem:s18+$0xFFFFFF90] =	vst v7  }
0x86: {  	v3 =	vand.u32 $0x7F, v3;
	v4 =	vor.u32 v4, v13;
	[tilespmem:s18+$0xFFFFFFA0] =	vst v1  }
0x87: {  	v3 =	vor.u32 v3, v14;
	v1 =	vand.u32 $0x7F, v5;
	[tilespmem:s18+$0xFFFFFFB0] =	vst v4  }
0x88: {  	v2 =	vand.u32 $0x7F, v2;
	v4 =	vadd.s32 v8, v15;
	[tilespmem:s18+$0xFFFFFFC0] =	vst v3;
	v1 =	vor.u32 v1, v12  }
0x89: {  	v3 =	vadd.s32 v9, v16;
	v5 =	vand.u32 $0x7F, v6;
	v2 =	vor.u32 v2, v4;
	[tilespmem:s18+$0xFFFFFFD0] =	vst v1  }
0x8a: {  	v1 =	vor.u32 v5, v3;
	[tilespmem:s19+$0xFFFFFFE0] =	vst v2  }
0x8b: {  	s17 =	simm.s32 $0x8800;
	s20 =	simm.s32 $0x10800;
	s21 =	simm.s32 $0x5070;
	[tilespmem:s19+$0xFFFFFFF0] =	vst v1  }
0x8c: {  	[tilespmem:s20], [sflag:$0x2] =	stream.indirect.gather [hbm4b:s1+s13], $0x1, s17, s13, $0xb8;
	[tilespmem:$0x14400] =	vst v63  }
0x8d: {  	s17 =	simm.s32 $0x1070;
	v1 =	vld [tilespmem:s21+$0x0]  }
0x8e: {  	v2 =	vld [tilespmem:s17+$0x0]  }
0x8f: {  	v3 =	vld [tilespmem:s21+$0xFFFFFFA0]  }
0x90: {  	v4 =	vld [tilespmem:s21+$0xFFFFFFB0]  }
0x91: {  	v5 =	vld [tilespmem:s21+$0xFFFFFFC0]  }
0x92: {  	v6 =	vld [tilespmem:s21+$0xFFFFFFD0]  }
0x93: {  	v13 =	vld [tilespmem:s17+$0xFFFFFF90]  }
0x94: {  	v21 =	vld [tilespmem:s17+$0xFFFFFFE0]  }
0x95: {  	v22 =	vld [tilespmem:s17+$0xFFFFFFF0];
	_ =	sdelay $0x1  }
0x96: {  	v11 =	vld [tilespmem:s21+$0xFFFFFF90];
	v7 =	vmul.u32 $0x108, v1;
	v1 =	vmul.u32 $0x21, v1;
	v2 =	vshll.u32 v2, $0xD  }
0x97: {  	v10 =	vmul.u32 $0x108, v3;
	v12 =	vmul.u32 $0x108, v4;
	v14 =	vmul.u32 $0x108, v5  }
0x98: {  	v8 =	vld [tilespmem:s21+$0xFFFFFFE0];
	v4 =	vmul.u32 $0x21, v4;
	v17 =	vmul.u32 $0x108, v6;
	v13 =	vshll.u32 v13, $0xD  }
0x99: {  	v9 =	vld [tilespmem:s21+$0xFFFFFFF0];
	v62 =	vshll.u32 v21, $0xD;
	v63 =	vshll.u32 v22, $0xD;
	v2 =	vadd.s32 v0, v2  }
0x9a: {  	v15 =	vld [tilespmem:s17+$0xFFFFFFA0];
	v13 =	vadd.s32 v0, v13;
	v7 =	vand.u32 $0xFFFFFC00, v7;
	v19 =	vand.u32 $0xFFFFFC00, v10  }
0x9b: {  	v18 =	vld [tilespmem:s17+$0xFFFFFFB0];
	v10 =	vmul.u32 $0x108, v11;
	v12 =	vand.u32 $0xFFFFFC00, v12;
	v14 =	vand.u32 $0xFFFFFC00, v14  }
0x9c: {  	v20 =	vld [tilespmem:s17+$0xFFFFFFC0];
	v17 =	vand.u32 $0xFFFFFC00, v17;
	v2 =	vadd.s32 v7, v2;
	v7 =	vand.u32 $0x7F, v1  }
0x9d: {  	v1 =	vmul.u32 $0x21, v3;
	v3 =	vmul.u32 $0x21, v5;
	v5 =	vmul.u32 $0x21, v6  }
0x9e: {  	v6 =	vmul.u32 $0x21, v9;
	v16 =	vor.u32 v7, v2;
	v7 =	vmul.u32 $0x21, v11;
	v11 =	vld [tilespmem:s17+$0xFFFFFFD0]  }
0x9f: {  	v9 =	vmul.u32 $0x108, v9;
	v2 =	vmul.u32 $0x21, v8;
	v10 =	vand.u32 $0xFFFFFC00, v10  }
0xa0: {  	v8 =	vmul.u32 $0x108, v8;
	v10 =	vadd.s32 v10, v13;
	v13 =	vshll.u32 v15, $0xD  }
0xa1: {  	s18 =	simm.s32 $0x9070;
	v15 =	vshll.u32 v18, $0xD;
	v9 =	vand.u32 $0xFFFFFC00, v9;
	v18 =	vshll.u32 v20, $0xD  }
0xa2: {  	[tilespmem:s18+$0x0] =	vst v16;
	v16 =	vadd.s32 v0, v63;
	v8 =	vand.u32 $0xFFFFFC00, v8;
	v13 =	vadd.s32 v0, v13  }
0xa3: {  	v15 =	vadd.s32 v0, v15;
	v18 =	vadd.s32 v0, v18;
	v61 =	vshll.u32 v11, $0xD  }
0xa4: {  	v14 =	vadd.s32 v14, v18;
	v11 =	vadd.s32 v19, v13;
	v19 =	vadd.s32 v0, v61  }
0xa5: {  	s19 =	simm.s32 $0x9070;
	s20 =	simm.s32 $0x1000;
	s21 =	simm.s32 $0x50F0;
	v13 =	vadd.s32 v12, v15;
	v15 =	vadd.s32 v0, v62;
	v12 =	vadd.s32 v17, v19  }
.LBB2_6:
0xa6: {  	v17 =	vld [tilespmem:s21+$0x0];
	s20 =	sadd.s32 $0x80, s20;
	v7 =	vand.u32 $0x7F, v7;
	v8 =	vadd.s32 v8, v15;
	v9 =	vadd.s32 v9, v16;
	s17 =	sadd.s32 $0x80, s17  }
0xa7: {  	v1 =	vand.u32 $0x7F, v1;
	v4 =	vand.u32 $0x7F, v4;
	v3 =	vand.u32 $0x7F, v3;
	v15 =	vld [tilespmem:s17+$0x0];
	p0 =	slt.u32 s20, $0x1780  }
0xa8: {  	v5 =	vand.u32 $0x7F, v5;
	v2 =	vand.u32 $0x7F, v2;
	v6 =	vand.u32 $0x7F, v6;
	v16 =	vld [tilespmem:s21+$0xFFFFFFA0]  }
0xa9: {  	v7 =	vor.u32 v7, v10;
	v1 =	vor.u32 v1, v11;
	v4 =	vor.u32 v4, v13;
	v18 =	vld [tilespmem:s21+$0xFFFFFFB0]  }
0xaa: {  	v3 =	vor.u32 v3, v14;
	v5 =	vor.u32 v5, v12;
	v2 =	vor.u32 v2, v8;
	v10 =	vld [tilespmem:s21+$0xFFFFFFC0];
	[tilespmem:s18+$0xFFFFFF90] =	vst v7  }
0xab: {  	v6 =	vor.u32 v6, v9;
	v7 =	vld [tilespmem:s21+$0xFFFFFFD0];
	v8 =	vmul.u32 $0x108, v17;
	[tilespmem:s18+$0xFFFFFFA0] =	vst v1  }
0xac: {  	v1 =	vmul.u32 $0x21, v17;
	v9 =	vld [tilespmem:s21+$0xFFFFFFE0];
	v11 =	vshll.u32 v15, $0xD;
	[tilespmem:s18+$0xFFFFFFB0] =	vst v4  }
0xad: {  	v12 =	vmul.u32 $0x108, v16;
	v13 =	vld [tilespmem:s21+$0xFFFFFFF0];
	v4 =	vadd.s32 v0, v11;
	v8 =	vand.u32 $0xFFFFFC00, v8;
	[tilespmem:s18+$0xFFFFFFC0] =	vst v3  }
0xae: {  	v11 =	vld [tilespmem:s21+$0xFFFFFF90];
	v14 =	vmul.u32 $0x108, v18;
	v3 =	vadd.s32 v8, v4;
	v4 =	vand.u32 $0x7F, v1;
	[tilespmem:s18+$0xFFFFFFD0] =	vst v5  }
0xaf: {  	v1 =	vmul.u32 $0x21, v16;
	s18 =	sadd.s32 $0x80, s18;
	v8 =	vld [tilespmem:s17+$0xFFFFFF90];
	v15 =	vmul.u32 $0x108, v10;
	v5 =	vor.u32 v4, v3;
	[tilespmem:s19+$0xFFFFFFE0] =	vst v2  }
0xb0: {  	v4 =	vmul.u32 $0x21, v18;
	v3 =	vmul.u32 $0x21, v10;
	v16 =	vld [tilespmem:s17+$0xFFFFFFA0];
	v10 =	vmul.u32 $0x108, v7;
	[tilespmem:s18+$0x0] =	vst v5  }
0xb1: {  	v5 =	vmul.u32 $0x21, v7;
	v17 =	vld [tilespmem:s17+$0xFFFFFFB0];
	v2 =	vmul.u32 $0x21, v9;
	v9 =	vmul.u32 $0x108, v9;
	[tilespmem:s19+$0xFFFFFFF0] =	vst v6;
	s19 =	smov.u32 s18  }
0xb2: {  	v12 =	vand.u32 $0xFFFFFC00, v12;
	v18 =	vld [tilespmem:s17+$0xFFFFFFC0];
	v6 =	vmul.u32 $0x21, v13;
	v13 =	vmul.u32 $0x108, v13  }
0xb3: {  	v14 =	vand.u32 $0xFFFFFC00, v14;
	v7 =	vmul.u32 $0x21, v11;
	v11 =	vmul.u32 $0x108, v11;
	v19 =	vld [tilespmem:s17+$0xFFFFFFD0]  }
0xb4: {  	v21 =	vand.u32 $0xFFFFFC00, v15;
	v22 =	vand.u32 $0xFFFFFC00, v10;
	v20 =	vshll.u32 v8, $0xD;
	v15 =	vld [tilespmem:s17+$0xFFFFFFE0]  }
0xb5: {  	v8 =	vand.u32 $0xFFFFFC00, v9;
	v10 =	vand.u32 $0xFFFFFC00, v11;
	v11 =	vshll.u32 v16, $0xD;
	v16 =	vld [tilespmem:s17+$0xFFFFFFF0]  }
0xb6: {  	v9 =	vand.u32 $0xFFFFFC00, v13;
	v20 =	vadd.s32 v0, v20;
	v17 =	vshll.u32 v17, $0xD  }
.Ltmp2:
0xb7: {  	v11 =	vadd.s32 v0, v11;
	v13 =	vadd.s32 v0, v17;
	v17 =	vshll.u32 v18, $0xD;
	(pc) =	sbr.rel @p0 .LBB2_6-.Ltmp2, $4  }
0xb8: {  	v10 =	vadd.s32 v10, v20;
	v17 =	vadd.s32 v0, v17;
	v18 =	vshll.u32 v19, $0xD  }
0xb9: {  	v11 =	vadd.s32 v12, v11;
	v12 =	vadd.s32 v0, v18;
	v15 =	vshll.u32 v15, $0xD  }
0xba: {  	v13 =	vadd.s32 v14, v13;
	v15 =	vadd.s32 v0, v15;
	v16 =	vshll.u32 v16, $0xD  }
0xbb: {  	s21 =	sadd.s32 $0x80, s21;
	v14 =	vadd.s32 v21, v17;
	v12 =	vadd.s32 v22, v12;
	v16 =	vadd.s32 v0, v16  }
0xbc: {  	v7 =	vand.u32 $0x7F, v7  }
0xbd: {  	v1 =	vand.u32 $0x7F, v1;
	v7 =	vor.u32 v7, v10  }
0xbe: {  	v4 =	vand.u32 $0x7F, v4;
	v1 =	vor.u32 v1, v11;
	[tilespmem:s18+$0xFFFFFF90] =	vst v7  }
0xbf: {  	v3 =	vand.u32 $0x7F, v3;
	v4 =	vor.u32 v4, v13;
	[tilespmem:s18+$0xFFFFFFA0] =	vst v1  }
0xc0: {  	v3 =	vor.u32 v3, v14;
	v1 =	vand.u32 $0x7F, v5;
	[tilespmem:s18+$0xFFFFFFB0] =	vst v4  }
0xc1: {  	v2 =	vand.u32 $0x7F, v2;
	v4 =	vadd.s32 v8, v15;
	[tilespmem:s18+$0xFFFFFFC0] =	vst v3;
	v1 =	vor.u32 v1, v12  }
0xc2: {  	v3 =	vadd.s32 v9, v16;
	v5 =	vand.u32 $0x7F, v6;
	v2 =	vor.u32 v2, v4;
	[tilespmem:s18+$0xFFFFFFD0] =	vst v1  }
0xc3: {  	v1 =	vor.u32 v5, v3;
	[tilespmem:s19+$0xFFFFFFE0] =	vst v2  }
0xc4: {  	s17 =	simm.s32 $0x9000;
	s20 =	simm.s32 $0x11000;
	s21 =	simm.s32 $0x5870;
	[tilespmem:s19+$0xFFFFFFF0] =	vst v1  }
0xc5: {  	[tilespmem:s20], [sflag:$0x2] =	stream.indirect.gather [hbm4b:s1+s13], $0x1, s17, s13, $0xb8;
	[tilespmem:$0x14400] =	vst v63  }
0xc6: {  	s17 =	simm.s32 $0x1870;
	v1 =	vld [tilespmem:s21+$0x0]  }
0xc7: {  	v2 =	vld [tilespmem:s17+$0x0]  }
0xc8: {  	v3 =	vld [tilespmem:s21+$0xFFFFFFA0]  }
0xc9: {  	v4 =	vld [tilespmem:s21+$0xFFFFFFB0]  }
0xca: {  	v5 =	vld [tilespmem:s21+$0xFFFFFFC0]  }
0xcb: {  	v6 =	vld [tilespmem:s21+$0xFFFFFFD0]  }
0xcc: {  	v13 =	vld [tilespmem:s17+$0xFFFFFF90]  }
0xcd: {  	v21 =	vld [tilespmem:s17+$0xFFFFFFE0]  }
0xce: {  	v22 =	vld [tilespmem:s17+$0xFFFFFFF0];
	_ =	sdelay $0x1  }
0xcf: {  	v11 =	vld [tilespmem:s21+$0xFFFFFF90];
	v7 =	vmul.u32 $0x108, v1;
	v1 =	vmul.u32 $0x21, v1;
	v2 =	vshll.u32 v2, $0xD  }
0xd0: {  	v10 =	vmul.u32 $0x108, v3;
	v12 =	vmul.u32 $0x108, v4;
	v14 =	vmul.u32 $0x108, v5  }
0xd1: {  	v8 =	vld [tilespmem:s21+$0xFFFFFFE0];
	v4 =	vmul.u32 $0x21, v4;
	v17 =	vmul.u32 $0x108, v6;
	v13 =	vshll.u32 v13, $0xD  }
0xd2: {  	v9 =	vld [tilespmem:s21+$0xFFFFFFF0];
	v62 =	vshll.u32 v21, $0xD;
	v63 =	vshll.u32 v22, $0xD;
	v2 =	vadd.s32 v0, v2  }
0xd3: {  	v15 =	vld [tilespmem:s17+$0xFFFFFFA0];
	v13 =	vadd.s32 v0, v13;
	v7 =	vand.u32 $0xFFFFFC00, v7;
	v19 =	vand.u32 $0xFFFFFC00, v10  }
0xd4: {  	v18 =	vld [tilespmem:s17+$0xFFFFFFB0];
	v10 =	vmul.u32 $0x108, v11;
	v12 =	vand.u32 $0xFFFFFC00, v12;
	v14 =	vand.u32 $0xFFFFFC00, v14  }
0xd5: {  	v20 =	vld [tilespmem:s17+$0xFFFFFFC0];
	v17 =	vand.u32 $0xFFFFFC00, v17;
	v2 =	vadd.s32 v7, v2;
	v7 =	vand.u32 $0x7F, v1  }
0xd6: {  	v1 =	vmul.u32 $0x21, v3;
	v3 =	vmul.u32 $0x21, v5;
	v5 =	vmul.u32 $0x21, v6  }
0xd7: {  	v6 =	vmul.u32 $0x21, v9;
	v16 =	vor.u32 v7, v2;
	v7 =	vmul.u32 $0x21, v11;
	v11 =	vld [tilespmem:s17+$0xFFFFFFD0]  }
0xd8: {  	v9 =	vmul.u32 $0x108, v9;
	v2 =	vmul.u32 $0x21, v8;
	v10 =	vand.u32 $0xFFFFFC00, v10  }
0xd9: {  	v8 =	vmul.u32 $0x108, v8;
	v10 =	vadd.s32 v10, v13;
	v13 =	vshll.u32 v15, $0xD  }
0xda: {  	s18 =	simm.s32 $0x9870;
	v15 =	vshll.u32 v18, $0xD;
	v9 =	vand.u32 $0xFFFFFC00, v9;
	v18 =	vshll.u32 v20, $0xD  }
0xdb: {  	[tilespmem:s18+$0x0] =	vst v16;
	v16 =	vadd.s32 v0, v63;
	v8 =	vand.u32 $0xFFFFFC00, v8;
	v13 =	vadd.s32 v0, v13  }
0xdc: {  	v15 =	vadd.s32 v0, v15;
	v18 =	vadd.s32 v0, v18;
	v61 =	vshll.u32 v11, $0xD  }
0xdd: {  	v14 =	vadd.s32 v14, v18;
	v11 =	vadd.s32 v19, v13;
	v19 =	vadd.s32 v0, v61  }
0xde: {  	s19 =	simm.s32 $0x9870;
	s20 =	simm.s32 $0x1800;
	s21 =	simm.s32 $0x58F0;
	v13 =	vadd.s32 v12, v15;
	v15 =	vadd.s32 v0, v62;
	v12 =	vadd.s32 v17, v19  }
.LBB2_8:
0xdf: {  	v17 =	vld [tilespmem:s21+$0x0];
	s20 =	sadd.s32 $0x80, s20;
	v7 =	vand.u32 $0x7F, v7;
	v8 =	vadd.s32 v8, v15;
	v9 =	vadd.s32 v9, v16;
	s17 =	sadd.s32 $0x80, s17  }
0xe0: {  	v1 =	vand.u32 $0x7F, v1;
	v4 =	vand.u32 $0x7F, v4;
	v3 =	vand.u32 $0x7F, v3;
	v15 =	vld [tilespmem:s17+$0x0];
	p0 =	slt.u32 s20, $0x1F80  }
0xe1: {  	v5 =	vand.u32 $0x7F, v5;
	v2 =	vand.u32 $0x7F, v2;
	v6 =	vand.u32 $0x7F, v6;
	v16 =	vld [tilespmem:s21+$0xFFFFFFA0]  }
0xe2: {  	v7 =	vor.u32 v7, v10;
	v1 =	vor.u32 v1, v11;
	v4 =	vor.u32 v4, v13;
	v18 =	vld [tilespmem:s21+$0xFFFFFFB0]  }
0xe3: {  	v3 =	vor.u32 v3, v14;
	v5 =	vor.u32 v5, v12;
	v2 =	vor.u32 v2, v8;
	v10 =	vld [tilespmem:s21+$0xFFFFFFC0];
	[tilespmem:s18+$0xFFFFFF90] =	vst v7  }
0xe4: {  	v6 =	vor.u32 v6, v9;
	v7 =	vld [tilespmem:s21+$0xFFFFFFD0];
	v8 =	vmul.u32 $0x108, v17;
	[tilespmem:s18+$0xFFFFFFA0] =	vst v1  }
0xe5: {  	v1 =	vmul.u32 $0x21, v17;
	v9 =	vld [tilespmem:s21+$0xFFFFFFE0];
	v11 =	vshll.u32 v15, $0xD;
	[tilespmem:s18+$0xFFFFFFB0] =	vst v4  }
0xe6: {  	v12 =	vmul.u32 $0x108, v16;
	v13 =	vld [tilespmem:s21+$0xFFFFFFF0];
	v4 =	vadd.s32 v0, v11;
	v8 =	vand.u32 $0xFFFFFC00, v8;
	[tilespmem:s18+$0xFFFFFFC0] =	vst v3  }
0xe7: {  	v11 =	vld [tilespmem:s21+$0xFFFFFF90];
	v14 =	vmul.u32 $0x108, v18;
	v3 =	vadd.s32 v8, v4;
	v4 =	vand.u32 $0x7F, v1;
	[tilespmem:s18+$0xFFFFFFD0] =	vst v5  }
0xe8: {  	v1 =	vmul.u32 $0x21, v16;
	s18 =	sadd.s32 $0x80, s18;
	v8 =	vld [tilespmem:s17+$0xFFFFFF90];
	v15 =	vmul.u32 $0x108, v10;
	v5 =	vor.u32 v4, v3;
	[tilespmem:s19+$0xFFFFFFE0] =	vst v2  }
0xe9: {  	v4 =	vmul.u32 $0x21, v18;
	v3 =	vmul.u32 $0x21, v10;
	v16 =	vld [tilespmem:s17+$0xFFFFFFA0];
	v10 =	vmul.u32 $0x108, v7;
	[tilespmem:s18+$0x0] =	vst v5  }
0xea: {  	v5 =	vmul.u32 $0x21, v7;
	v17 =	vld [tilespmem:s17+$0xFFFFFFB0];
	v2 =	vmul.u32 $0x21, v9;
	v9 =	vmul.u32 $0x108, v9;
	[tilespmem:s19+$0xFFFFFFF0] =	vst v6;
	s19 =	smov.u32 s18  }
0xeb: {  	v12 =	vand.u32 $0xFFFFFC00, v12;
	v18 =	vld [tilespmem:s17+$0xFFFFFFC0];
	v6 =	vmul.u32 $0x21, v13;
	v13 =	vmul.u32 $0x108, v13  }
0xec: {  	v14 =	vand.u32 $0xFFFFFC00, v14;
	v7 =	vmul.u32 $0x21, v11;
	v11 =	vmul.u32 $0x108, v11;
	v19 =	vld [tilespmem:s17+$0xFFFFFFD0]  }
0xed: {  	v21 =	vand.u32 $0xFFFFFC00, v15;
	v22 =	vand.u32 $0xFFFFFC00, v10;
	v20 =	vshll.u32 v8, $0xD;
	v15 =	vld [tilespmem:s17+$0xFFFFFFE0]  }
0xee: {  	v8 =	vand.u32 $0xFFFFFC00, v9;
	v10 =	vand.u32 $0xFFFFFC00, v11;
	v11 =	vshll.u32 v16, $0xD;
	v16 =	vld [tilespmem:s17+$0xFFFFFFF0]  }
0xef: {  	v9 =	vand.u32 $0xFFFFFC00, v13;
	v20 =	vadd.s32 v0, v20;
	v17 =	vshll.u32 v17, $0xD  }
.Ltmp3:
0xf0: {  	v11 =	vadd.s32 v0, v11;
	v13 =	vadd.s32 v0, v17;
	v17 =	vshll.u32 v18, $0xD;
	(pc) =	sbr.rel @p0 .LBB2_8-.Ltmp3, $4  }
0xf1: {  	v10 =	vadd.s32 v10, v20;
	v17 =	vadd.s32 v0, v17;
	v18 =	vshll.u32 v19, $0xD  }
0xf2: {  	v11 =	vadd.s32 v12, v11;
	v12 =	vadd.s32 v0, v18;
	v15 =	vshll.u32 v15, $0xD  }
0xf3: {  	v13 =	vadd.s32 v14, v13;
	v15 =	vadd.s32 v0, v15;
	v16 =	vshll.u32 v16, $0xD  }
0xf4: {  	s21 =	sadd.s32 $0x80, s21;
	v14 =	vadd.s32 v21, v17;
	v12 =	vadd.s32 v22, v12;
	v16 =	vadd.s32 v0, v16  }
0xf5: {  	v7 =	vand.u32 $0x7F, v7  }
0xf6: {  	v1 =	vand.u32 $0x7F, v1;
	v7 =	vor.u32 v7, v10  }
0xf7: {  	v4 =	vand.u32 $0x7F, v4;
	v1 =	vor.u32 v1, v11;
	[tilespmem:s18+$0xFFFFFF90] =	vst v7  }
0xf8: {  	v3 =	vand.u32 $0x7F, v3;
	v4 =	vor.u32 v4, v13;
	[tilespmem:s18+$0xFFFFFFA0] =	vst v1  }
0xf9: {  	v3 =	vor.u32 v3, v14;
	v1 =	vand.u32 $0x7F, v5;
	[tilespmem:s18+$0xFFFFFFB0] =	vst v4  }
0xfa: {  	v2 =	vand.u32 $0x7F, v2;
	v4 =	vadd.s32 v8, v15;
	[tilespmem:s18+$0xFFFFFFC0] =	vst v3;
	v1 =	vor.u32 v1, v12  }
0xfb: {  	v3 =	vadd.s32 v9, v16;
	v5 =	vand.u32 $0x7F, v6;
	v2 =	vor.u32 v2, v4;
	[tilespmem:s18+$0xFFFFFFD0] =	vst v1  }
0xfc: {  	v1 =	vor.u32 v5, v3;
	[tilespmem:s19+$0xFFFFFFE0] =	vst v2  }
0xfd: {  	s17 =	simm.s32 $0x9800;
	s20 =	simm.s32 $0x11800;
	s21 =	simm.s32 $0x6070;
	[tilespmem:s19+$0xFFFFFFF0] =	vst v1  }
0xfe: {  	[tilespmem:s20], [sflag:$0x2] =	stream.indirect.gather [hbm4b:s1+s13], $0x1, s17, s13, $0xb8;
	[tilespmem:$0x14400] =	vst v63  }
0xff: {  	s17 =	simm.s32 $0x2070;
	v1 =	vld [tilespmem:s21+$0x0]  }
0x100: {  	v2 =	vld [tilespmem:s17+$0x0]  }
0x101: {  	v3 =	vld [tilespmem:s21+$0xFFFFFFA0]  }
0x102: {  	v4 =	vld [tilespmem:s21+$0xFFFFFFB0]  }
0x103: {  	v5 =	vld [tilespmem:s21+$0xFFFFFFC0]  }
0x104: {  	v6 =	vld [tilespmem:s21+$0xFFFFFFD0]  }
0x105: {  	v13 =	vld [tilespmem:s17+$0xFFFFFF90]  }
0x106: {  	v21 =	vld [tilespmem:s17+$0xFFFFFFE0]  }
0x107: {  	v22 =	vld [tilespmem:s17+$0xFFFFFFF0];
	_ =	sdelay $0x1  }
0x108: {  	v11 =	vld [tilespmem:s21+$0xFFFFFF90];
	v7 =	vmul.u32 $0x108, v1;
	v1 =	vmul.u32 $0x21, v1;
	v2 =	vshll.u32 v2, $0xD  }
0x109: {  	v10 =	vmul.u32 $0x108, v3;
	v12 =	vmul.u32 $0x108, v4;
	v14 =	vmul.u32 $0x108, v5  }
0x10a: {  	v8 =	vld [tilespmem:s21+$0xFFFFFFE0];
	v4 =	vmul.u32 $0x21, v4;
	v17 =	vmul.u32 $0x108, v6;
	v13 =	vshll.u32 v13, $0xD  }
0x10b: {  	v9 =	vld [tilespmem:s21+$0xFFFFFFF0];
	v62 =	vshll.u32 v21, $0xD;
	v63 =	vshll.u32 v22, $0xD;
	v2 =	vadd.s32 v0, v2  }
0x10c: {  	v15 =	vld [tilespmem:s17+$0xFFFFFFA0];
	v13 =	vadd.s32 v0, v13;
	v7 =	vand.u32 $0xFFFFFC00, v7;
	v19 =	vand.u32 $0xFFFFFC00, v10  }
0x10d: {  	v18 =	vld [tilespmem:s17+$0xFFFFFFB0];
	v10 =	vmul.u32 $0x108, v11;
	v12 =	vand.u32 $0xFFFFFC00, v12;
	v14 =	vand.u32 $0xFFFFFC00, v14  }
0x10e: {  	v20 =	vld [tilespmem:s17+$0xFFFFFFC0];
	v17 =	vand.u32 $0xFFFFFC00, v17;
	v2 =	vadd.s32 v7, v2;
	v7 =	vand.u32 $0x7F, v1  }
0x10f: {  	v1 =	vmul.u32 $0x21, v3;
	v3 =	vmul.u32 $0x21, v5;
	v5 =	vmul.u32 $0x21, v6  }
0x110: {  	v6 =	vmul.u32 $0x21, v9;
	v16 =	vor.u32 v7, v2;
	v7 =	vmul.u32 $0x21, v11;
	v11 =	vld [tilespmem:s17+$0xFFFFFFD0]  }
0x111: {  	v9 =	vmul.u32 $0x108, v9;
	v2 =	vmul.u32 $0x21, v8;
	v10 =	vand.u32 $0xFFFFFC00, v10  }
0x112: {  	v8 =	vmul.u32 $0x108, v8;
	v10 =	vadd.s32 v10, v13;
	v13 =	vshll.u32 v15, $0xD  }
0x113: {  	s18 =	simm.s32 $0xA070;
	v15 =	vshll.u32 v18, $0xD;
	v9 =	vand.u32 $0xFFFFFC00, v9;
	v18 =	vshll.u32 v20, $0xD  }
0x114: {  	[tilespmem:s18+$0x0] =	vst v16;
	v16 =	vadd.s32 v0, v63;
	v8 =	vand.u32 $0xFFFFFC00, v8;
	v13 =	vadd.s32 v0, v13  }
0x115: {  	v15 =	vadd.s32 v0, v15;
	v18 =	vadd.s32 v0, v18;
	v61 =	vshll.u32 v11, $0xD  }
0x116: {  	v14 =	vadd.s32 v14, v18;
	v11 =	vadd.s32 v19, v13;
	v19 =	vadd.s32 v0, v61  }
0x117: {  	s19 =	simm.s32 $0xA070;
	s20 =	simm.s32 $0x2000;
	s21 =	simm.s32 $0x60F0;
	v13 =	vadd.s32 v12, v15;
	v15 =	vadd.s32 v0, v62;
	v12 =	vadd.s32 v17, v19  }
.LBB2_10:
0x118: {  	v17 =	vld [tilespmem:s21+$0x0];
	s20 =	sadd.s32 $0x80, s20;
	v7 =	vand.u32 $0x7F, v7;
	v8 =	vadd.s32 v8, v15;
	v9 =	vadd.s32 v9, v16;
	s17 =	sadd.s32 $0x80, s17  }
0x119: {  	v1 =	vand.u32 $0x7F, v1;
	v4 =	vand.u32 $0x7F, v4;
	v3 =	vand.u32 $0x7F, v3;
	v15 =	vld [tilespmem:s17+$0x0];
	p0 =	slt.u32 s20, $0x2780  }
0x11a: {  	v5 =	vand.u32 $0x7F, v5;
	v2 =	vand.u32 $0x7F, v2;
	v6 =	vand.u32 $0x7F, v6;
	v16 =	vld [tilespmem:s21+$0xFFFFFFA0]  }
0x11b: {  	v7 =	vor.u32 v7, v10;
	v1 =	vor.u32 v1, v11;
	v4 =	vor.u32 v4, v13;
	v18 =	vld [tilespmem:s21+$0xFFFFFFB0]  }
0x11c: {  	v3 =	vor.u32 v3, v14;
	v5 =	vor.u32 v5, v12;
	v2 =	vor.u32 v2, v8;
	v10 =	vld [tilespmem:s21+$0xFFFFFFC0];
	[tilespmem:s18+$0xFFFFFF90] =	vst v7  }
0x11d: {  	v6 =	vor.u32 v6, v9;
	v7 =	vld [tilespmem:s21+$0xFFFFFFD0];
	v8 =	vmul.u32 $0x108, v17;
	[tilespmem:s18+$0xFFFFFFA0] =	vst v1  }
0x11e: {  	v1 =	vmul.u32 $0x21, v17;
	v9 =	vld [tilespmem:s21+$0xFFFFFFE0];
	v11 =	vshll.u32 v15, $0xD;
	[tilespmem:s18+$0xFFFFFFB0] =	vst v4  }
0x11f: {  	v12 =	vmul.u32 $0x108, v16;
	v13 =	vld [tilespmem:s21+$0xFFFFFFF0];
	v4 =	vadd.s32 v0, v11;
	v8 =	vand.u32 $0xFFFFFC00, v8;
	[tilespmem:s18+$0xFFFFFFC0] =	vst v3  }
0x120: {  	v11 =	vld [tilespmem:s21+$0xFFFFFF90];
	v14 =	vmul.u32 $0x108, v18;
	v3 =	vadd.s32 v8, v4;
	v4 =	vand.u32 $0x7F, v1;
	[tilespmem:s18+$0xFFFFFFD0] =	vst v5  }
0x121: {  	v1 =	vmul.u32 $0x21, v16;
	s18 =	sadd.s32 $0x80, s18;
	v8 =	vld [tilespmem:s17+$0xFFFFFF90];
	v15 =	vmul.u32 $0x108, v10;
	v5 =	vor.u32 v4, v3;
	[tilespmem:s19+$0xFFFFFFE0] =	vst v2  }
0x122: {  	v4 =	vmul.u32 $0x21, v18;
	v3 =	vmul.u32 $0x21, v10;
	v16 =	vld [tilespmem:s17+$0xFFFFFFA0];
	v10 =	vmul.u32 $0x108, v7;
	[tilespmem:s18+$0x0] =	vst v5  }
0x123: {  	v5 =	vmul.u32 $0x21, v7;
	v17 =	vld [tilespmem:s17+$0xFFFFFFB0];
	v2 =	vmul.u32 $0x21, v9;
	v9 =	vmul.u32 $0x108, v9;
	[tilespmem:s19+$0xFFFFFFF0] =	vst v6;
	s19 =	smov.u32 s18  }
0x124: {  	v12 =	vand.u32 $0xFFFFFC00, v12;
	v18 =	vld [tilespmem:s17+$0xFFFFFFC0];
	v6 =	vmul.u32 $0x21, v13;
	v13 =	vmul.u32 $0x108, v13  }
0x125: {  	v14 =	vand.u32 $0xFFFFFC00, v14;
	v7 =	vmul.u32 $0x21, v11;
	v11 =	vmul.u32 $0x108, v11;
	v19 =	vld [tilespmem:s17+$0xFFFFFFD0]  }
0x126: {  	v21 =	vand.u32 $0xFFFFFC00, v15;
	v22 =	vand.u32 $0xFFFFFC00, v10;
	v20 =	vshll.u32 v8, $0xD;
	v15 =	vld [tilespmem:s17+$0xFFFFFFE0]  }
0x127: {  	v8 =	vand.u32 $0xFFFFFC00, v9;
	v10 =	vand.u32 $0xFFFFFC00, v11;
	v11 =	vshll.u32 v16, $0xD;
	v16 =	vld [tilespmem:s17+$0xFFFFFFF0]  }
0x128: {  	v9 =	vand.u32 $0xFFFFFC00, v13;
	v20 =	vadd.s32 v0, v20;
	v17 =	vshll.u32 v17, $0xD  }
.Ltmp4:
0x129: {  	v11 =	vadd.s32 v0, v11;
	v13 =	vadd.s32 v0, v17;
	v17 =	vshll.u32 v18, $0xD;
	(pc) =	sbr.rel @p0 .LBB2_10-.Ltmp4, $4  }
0x12a: {  	v10 =	vadd.s32 v10, v20;
	v17 =	vadd.s32 v0, v17;
	v18 =	vshll.u32 v19, $0xD  }
0x12b: {  	v11 =	vadd.s32 v12, v11;
	v12 =	vadd.s32 v0, v18;
	v15 =	vshll.u32 v15, $0xD  }
0x12c: {  	v13 =	vadd.s32 v14, v13;
	v15 =	vadd.s32 v0, v15;
	v16 =	vshll.u32 v16, $0xD  }
0x12d: {  	s21 =	sadd.s32 $0x80, s21;
	v14 =	vadd.s32 v21, v17;
	v12 =	vadd.s32 v22, v12;
	v16 =	vadd.s32 v0, v16  }
0x12e: {  	v7 =	vand.u32 $0x7F, v7  }
0x12f: {  	v1 =	vand.u32 $0x7F, v1;
	v7 =	vor.u32 v7, v10  }
0x130: {  	v4 =	vand.u32 $0x7F, v4;
	v1 =	vor.u32 v1, v11;
	[tilespmem:s18+$0xFFFFFF90] =	vst v7  }
0x131: {  	v3 =	vand.u32 $0x7F, v3;
	v4 =	vor.u32 v4, v13;
	[tilespmem:s18+$0xFFFFFFA0] =	vst v1  }
0x132: {  	v3 =	vor.u32 v3, v14;
	v1 =	vand.u32 $0x7F, v5;
	[tilespmem:s18+$0xFFFFFFB0] =	vst v4  }
0x133: {  	v2 =	vand.u32 $0x7F, v2;
	v4 =	vadd.s32 v8, v15;
	[tilespmem:s18+$0xFFFFFFC0] =	vst v3;
	v1 =	vor.u32 v1, v12  }
0x134: {  	v3 =	vadd.s32 v9, v16;
	v5 =	vand.u32 $0x7F, v6;
	v2 =	vor.u32 v2, v4;
	[tilespmem:s18+$0xFFFFFFD0] =	vst v1  }
0x135: {  	v1 =	vor.u32 v5, v3;
	[tilespmem:s19+$0xFFFFFFE0] =	vst v2  }
0x136: {  	s21 =	simm.s32 $0x6870;
	[tilespmem:s19+$0xFFFFFFF0] =	vst v1  }
0x137: {  	[tilespmem:s23], [sflag:$0x2] =	stream.indirect.gather [hbm4b:s1+s13], $0x1, s22, s13, $0xb8;
	[tilespmem:$0x14400] =	vst v63  }
0x138: {  	s17 =	simm.s32 $0x2870;
	v1 =	vld [tilespmem:s21+$0x0]  }
0x139: {  	v2 =	vld [tilespmem:s17+$0x0]  }
0x13a: {  	v3 =	vld [tilespmem:s21+$0xFFFFFFA0]  }
0x13b: {  	v4 =	vld [tilespmem:s21+$0xFFFFFFB0]  }
0x13c: {  	v5 =	vld [tilespmem:s21+$0xFFFFFFC0]  }
0x13d: {  	v6 =	vld [tilespmem:s21+$0xFFFFFFD0]  }
0x13e: {  	v13 =	vld [tilespmem:s17+$0xFFFFFF90]  }
0x13f: {  	v21 =	vld [tilespmem:s17+$0xFFFFFFE0]  }
0x140: {  	v22 =	vld [tilespmem:s17+$0xFFFFFFF0];
	_ =	sdelay $0x1  }
0x141: {  	v11 =	vld [tilespmem:s21+$0xFFFFFF90];
	v7 =	vmul.u32 $0x108, v1;
	v1 =	vmul.u32 $0x21, v1;
	v2 =	vshll.u32 v2, $0xD  }
0x142: {  	v10 =	vmul.u32 $0x108, v3;
	v12 =	vmul.u32 $0x108, v4;
	v14 =	vmul.u32 $0x108, v5  }
0x143: {  	v8 =	vld [tilespmem:s21+$0xFFFFFFE0];
	v4 =	vmul.u32 $0x21, v4;
	v17 =	vmul.u32 $0x108, v6;
	v13 =	vshll.u32 v13, $0xD  }
0x144: {  	v9 =	vld [tilespmem:s21+$0xFFFFFFF0];
	v62 =	vshll.u32 v21, $0xD;
	v63 =	vshll.u32 v22, $0xD;
	v2 =	vadd.s32 v0, v2  }
0x145: {  	v15 =	vld [tilespmem:s17+$0xFFFFFFA0];
	v13 =	vadd.s32 v0, v13;
	v7 =	vand.u32 $0xFFFFFC00, v7;
	v19 =	vand.u32 $0xFFFFFC00, v10  }
0x146: {  	v18 =	vld [tilespmem:s17+$0xFFFFFFB0];
	v10 =	vmul.u32 $0x108, v11;
	v12 =	vand.u32 $0xFFFFFC00, v12;
	v14 =	vand.u32 $0xFFFFFC00, v14  }
0x147: {  	v20 =	vld [tilespmem:s17+$0xFFFFFFC0];
	v17 =	vand.u32 $0xFFFFFC00, v17;
	v2 =	vadd.s32 v7, v2;
	v7 =	vand.u32 $0x7F, v1  }
0x148: {  	v1 =	vmul.u32 $0x21, v3;
	v3 =	vmul.u32 $0x21, v5;
	v5 =	vmul.u32 $0x21, v6  }
0x149: {  	v6 =	vmul.u32 $0x21, v9;
	v16 =	vor.u32 v7, v2;
	v7 =	vmul.u32 $0x21, v11;
	v11 =	vld [tilespmem:s17+$0xFFFFFFD0]  }
0x14a: {  	v9 =	vmul.u32 $0x108, v9;
	v2 =	vmul.u32 $0x21, v8;
	v10 =	vand.u32 $0xFFFFFC00, v10  }
0x14b: {  	v8 =	vmul.u32 $0x108, v8;
	v10 =	vadd.s32 v10, v13;
	v13 =	vshll.u32 v15, $0xD  }
0x14c: {  	s18 =	simm.s32 $0xA870;
	v15 =	vshll.u32 v18, $0xD;
	v9 =	vand.u32 $0xFFFFFC00, v9;
	v18 =	vshll.u32 v20, $0xD  }
0x14d: {  	[tilespmem:s18+$0x0] =	vst v16;
	v16 =	vadd.s32 v0, v63;
	v8 =	vand.u32 $0xFFFFFC00, v8;
	v13 =	vadd.s32 v0, v13  }
0x14e: {  	v15 =	vadd.s32 v0, v15;
	v18 =	vadd.s32 v0, v18;
	v61 =	vshll.u32 v11, $0xD  }
0x14f: {  	v14 =	vadd.s32 v14, v18;
	v11 =	vadd.s32 v19, v13;
	v19 =	vadd.s32 v0, v61  }
0x150: {  	s20 =	simm.s32 $0x2800;
	s19 =	simm.s32 $0xA870;
	s21 =	simm.s32 $0x68F0;
	v13 =	vadd.s32 v12, v15;
	v15 =	vadd.s32 v0, v62;
	v12 =	vadd.s32 v17, v19  }
.LBB2_12:
0x151: {  	v17 =	vld [tilespmem:s21+$0x0];
	s20 =	sadd.s32 $0x80, s20;
	v7 =	vand.u32 $0x7F, v7;
	v8 =	vadd.s32 v8, v15;
	v9 =	vadd.s32 v9, v16;
	s17 =	sadd.s32 $0x80, s17  }
0x152: {  	v1 =	vand.u32 $0x7F, v1;
	v4 =	vand.u32 $0x7F, v4;
	v3 =	vand.u32 $0x7F, v3;
	v15 =	vld [tilespmem:s17+$0x0];
	p0 =	slt.u32 s20, $0x2F80  }
0x153: {  	v5 =	vand.u32 $0x7F, v5;
	v2 =	vand.u32 $0x7F, v2;
	v6 =	vand.u32 $0x7F, v6;
	v16 =	vld [tilespmem:s21+$0xFFFFFFA0]  }
0x154: {  	v7 =	vor.u32 v7, v10;
	v1 =	vor.u32 v1, v11;
	v4 =	vor.u32 v4, v13;
	v18 =	vld [tilespmem:s21+$0xFFFFFFB0]  }
0x155: {  	v3 =	vor.u32 v3, v14;
	v5 =	vor.u32 v5, v12;
	v2 =	vor.u32 v2, v8;
	v10 =	vld [tilespmem:s21+$0xFFFFFFC0];
	[tilespmem:s18+$0xFFFFFF90] =	vst v7  }
0x156: {  	v6 =	vor.u32 v6, v9;
	v7 =	vld [tilespmem:s21+$0xFFFFFFD0];
	v8 =	vmul.u32 $0x108, v17;
	[tilespmem:s18+$0xFFFFFFA0] =	vst v1  }
0x157: {  	v1 =	vmul.u32 $0x21, v17;
	v9 =	vld [tilespmem:s21+$0xFFFFFFE0];
	v11 =	vshll.u32 v15, $0xD;
	[tilespmem:s18+$0xFFFFFFB0] =	vst v4  }
0x158: {  	v12 =	vmul.u32 $0x108, v16;
	v13 =	vld [tilespmem:s21+$0xFFFFFFF0];
	v4 =	vadd.s32 v0, v11;
	v8 =	vand.u32 $0xFFFFFC00, v8;
	[tilespmem:s18+$0xFFFFFFC0] =	vst v3  }
0x159: {  	v11 =	vld [tilespmem:s21+$0xFFFFFF90];
	v14 =	vmul.u32 $0x108, v18;
	v3 =	vadd.s32 v8, v4;
	v4 =	vand.u32 $0x7F, v1;
	[tilespmem:s18+$0xFFFFFFD0] =	vst v5  }
0x15a: {  	v1 =	vmul.u32 $0x21, v16;
	s18 =	sadd.s32 $0x80, s18;
	v8 =	vld [tilespmem:s17+$0xFFFFFF90];
	v15 =	vmul.u32 $0x108, v10;
	v5 =	vor.u32 v4, v3;
	[tilespmem:s19+$0xFFFFFFE0] =	vst v2  }
0x15b: {  	v4 =	vmul.u32 $0x21, v18;
	v3 =	vmul.u32 $0x21, v10;
	v16 =	vld [tilespmem:s17+$0xFFFFFFA0];
	v10 =	vmul.u32 $0x108, v7;
	[tilespmem:s18+$0x0] =	vst v5  }
0x15c: {  	v5 =	vmul.u32 $0x21, v7;
	v17 =	vld [tilespmem:s17+$0xFFFFFFB0];
	v2 =	vmul.u32 $0x21, v9;
	v9 =	vmul.u32 $0x108, v9;
	[tilespmem:s19+$0xFFFFFFF0] =	vst v6;
	s19 =	smov.u32 s18  }
0x15d: {  	v12 =	vand.u32 $0xFFFFFC00, v12;
	v18 =	vld [tilespmem:s17+$0xFFFFFFC0];
	v6 =	vmul.u32 $0x21, v13;
	v13 =	vmul.u32 $0x108, v13  }
0x15e: {  	v14 =	vand.u32 $0xFFFFFC00, v14;
	v7 =	vmul.u32 $0x21, v11;
	v11 =	vmul.u32 $0x108, v11;
	v19 =	vld [tilespmem:s17+$0xFFFFFFD0]  }
0x15f: {  	v21 =	vand.u32 $0xFFFFFC00, v15;
	v22 =	vand.u32 $0xFFFFFC00, v10;
	v20 =	vshll.u32 v8, $0xD;
	v15 =	vld [tilespmem:s17+$0xFFFFFFE0]  }
0x160: {  	v8 =	vand.u32 $0xFFFFFC00, v9;
	v10 =	vand.u32 $0xFFFFFC00, v11;
	v11 =	vshll.u32 v16, $0xD;
	v16 =	vld [tilespmem:s17+$0xFFFFFFF0]  }
0x161: {  	v9 =	vand.u32 $0xFFFFFC00, v13;
	v20 =	vadd.s32 v0, v20;
	v17 =	vshll.u32 v17, $0xD  }
.Ltmp5:
0x162: {  	v11 =	vadd.s32 v0, v11;
	v13 =	vadd.s32 v0, v17;
	v17 =	vshll.u32 v18, $0xD;
	(pc) =	sbr.rel @p0 .LBB2_12-.Ltmp5, $4  }
0x163: {  	v10 =	vadd.s32 v10, v20;
	v17 =	vadd.s32 v0, v17;
	v18 =	vshll.u32 v19, $0xD  }
0x164: {  	v11 =	vadd.s32 v12, v11;
	v12 =	vadd.s32 v0, v18;
	v15 =	vshll.u32 v15, $0xD  }
0x165: {  	v13 =	vadd.s32 v14, v13;
	v15 =	vadd.s32 v0, v15;
	v16 =	vshll.u32 v16, $0xD  }
0x166: {  	s21 =	sadd.s32 $0x80, s21;
	v14 =	vadd.s32 v21, v17;
	v12 =	vadd.s32 v22, v12;
	v16 =	vadd.s32 v0, v16  }
0x167: {  	v7 =	vand.u32 $0x7F, v7  }
0x168: {  	v1 =	vand.u32 $0x7F, v1;
	v7 =	vor.u32 v7, v10  }
0x169: {  	v4 =	vand.u32 $0x7F, v4;
	v1 =	vor.u32 v1, v11;
	[tilespmem:s18+$0xFFFFFF90] =	vst v7  }
0x16a: {  	v3 =	vand.u32 $0x7F, v3;
	v4 =	vor.u32 v4, v13;
	[tilespmem:s18+$0xFFFFFFA0] =	vst v1  }
0x16b: {  	v3 =	vor.u32 v3, v14;
	v1 =	vand.u32 $0x7F, v5;
	[tilespmem:s18+$0xFFFFFFB0] =	vst v4  }
0x16c: {  	v2 =	vand.u32 $0x7F, v2;
	v4 =	vadd.s32 v8, v15;
	[tilespmem:s18+$0xFFFFFFC0] =	vst v3;
	v1 =	vor.u32 v1, v12  }
0x16d: {  	v3 =	vadd.s32 v9, v16;
	v5 =	vand.u32 $0x7F, v6;
	v2 =	vor.u32 v2, v4;
	[tilespmem:s18+$0xFFFFFFD0] =	vst v1  }
0x16e: {  	v1 =	vor.u32 v5, v3;
	[tilespmem:s19+$0xFFFFFFE0] =	vst v2  }
0x16f: {  	s21 =	simm.s32 $0x7070;
	[tilespmem:s19+$0xFFFFFFF0] =	vst v1  }
0x170: {  	[tilespmem:s25], [sflag:$0x2] =	stream.indirect.gather [hbm4b:s1+s13], $0x1, s24, s13, $0xb8;
	[tilespmem:$0x14400] =	vst v63  }
0x171: {  	s17 =	simm.s32 $0x3070;
	v1 =	vld [tilespmem:s21+$0x0]  }
0x172: {  	v2 =	vld [tilespmem:s17+$0x0]  }
0x173: {  	v3 =	vld [tilespmem:s21+$0xFFFFFFA0]  }
0x174: {  	v4 =	vld [tilespmem:s21+$0xFFFFFFB0]  }
0x175: {  	v5 =	vld [tilespmem:s21+$0xFFFFFFC0]  }
0x176: {  	v6 =	vld [tilespmem:s21+$0xFFFFFFD0]  }
0x177: {  	v13 =	vld [tilespmem:s17+$0xFFFFFF90]  }
0x178: {  	v21 =	vld [tilespmem:s17+$0xFFFFFFE0]  }
0x179: {  	v22 =	vld [tilespmem:s17+$0xFFFFFFF0];
	_ =	sdelay $0x1  }
0x17a: {  	v11 =	vld [tilespmem:s21+$0xFFFFFF90];
	v7 =	vmul.u32 $0x108, v1;
	v1 =	vmul.u32 $0x21, v1;
	v2 =	vshll.u32 v2, $0xD  }
0x17b: {  	v10 =	vmul.u32 $0x108, v3;
	v12 =	vmul.u32 $0x108, v4;
	v14 =	vmul.u32 $0x108, v5  }
0x17c: {  	v8 =	vld [tilespmem:s21+$0xFFFFFFE0];
	v4 =	vmul.u32 $0x21, v4;
	v17 =	vmul.u32 $0x108, v6;
	v13 =	vshll.u32 v13, $0xD  }
0x17d: {  	v9 =	vld [tilespmem:s21+$0xFFFFFFF0];
	v62 =	vshll.u32 v21, $0xD;
	v63 =	vshll.u32 v22, $0xD;
	v2 =	vadd.s32 v0, v2  }
0x17e: {  	v15 =	vld [tilespmem:s17+$0xFFFFFFA0];
	v13 =	vadd.s32 v0, v13;
	v7 =	vand.u32 $0xFFFFFC00, v7;
	v19 =	vand.u32 $0xFFFFFC00, v10  }
0x17f: {  	v18 =	vld [tilespmem:s17+$0xFFFFFFB0];
	v10 =	vmul.u32 $0x108, v11;
	v12 =	vand.u32 $0xFFFFFC00, v12;
	v14 =	vand.u32 $0xFFFFFC00, v14  }
0x180: {  	v20 =	vld [tilespmem:s17+$0xFFFFFFC0];
	v17 =	vand.u32 $0xFFFFFC00, v17;
	v2 =	vadd.s32 v7, v2;
	v7 =	vand.u32 $0x7F, v1  }
0x181: {  	v1 =	vmul.u32 $0x21, v3;
	v3 =	vmul.u32 $0x21, v5;
	v5 =	vmul.u32 $0x21, v6  }
0x182: {  	v6 =	vmul.u32 $0x21, v9;
	v16 =	vor.u32 v7, v2;
	v7 =	vmul.u32 $0x21, v11;
	v11 =	vld [tilespmem:s17+$0xFFFFFFD0]  }
0x183: {  	v9 =	vmul.u32 $0x108, v9;
	v2 =	vmul.u32 $0x21, v8;
	v10 =	vand.u32 $0xFFFFFC00, v10  }
0x184: {  	v8 =	vmul.u32 $0x108, v8;
	v10 =	vadd.s32 v10, v13;
	v13 =	vshll.u32 v15, $0xD  }
0x185: {  	s18 =	simm.s32 $0xB070;
	v15 =	vshll.u32 v18, $0xD;
	v9 =	vand.u32 $0xFFFFFC00, v9;
	v18 =	vshll.u32 v20, $0xD  }
0x186: {  	[tilespmem:s18+$0x0] =	vst v16;
	v16 =	vadd.s32 v0, v63;
	v8 =	vand.u32 $0xFFFFFC00, v8;
	v13 =	vadd.s32 v0, v13  }
0x187: {  	v15 =	vadd.s32 v0, v15;
	v18 =	vadd.s32 v0, v18;
	v61 =	vshll.u32 v11, $0xD  }
0x188: {  	v14 =	vadd.s32 v14, v18;
	v11 =	vadd.s32 v19, v13;
	v19 =	vadd.s32 v0, v61  }
0x189: {  	s20 =	simm.s32 $0x3000;
	s19 =	simm.s32 $0xB070;
	s21 =	simm.s32 $0x70F0;
	v13 =	vadd.s32 v12, v15;
	v15 =	vadd.s32 v0, v62;
	v12 =	vadd.s32 v17, v19  }
.LBB2_14:
0x18a: {  	v17 =	vld [tilespmem:s21+$0x0];
	s20 =	sadd.s32 $0x80, s20;
	v7 =	vand.u32 $0x7F, v7;
	v8 =	vadd.s32 v8, v15;
	v9 =	vadd.s32 v9, v16;
	s17 =	sadd.s32 $0x80, s17  }
0x18b: {  	v1 =	vand.u32 $0x7F, v1;
	v4 =	vand.u32 $0x7F, v4;
	v3 =	vand.u32 $0x7F, v3;
	v15 =	vld [tilespmem:s17+$0x0];
	p0 =	slt.u32 s20, $0x3780  }
0x18c: {  	v5 =	vand.u32 $0x7F, v5;
	v2 =	vand.u32 $0x7F, v2;
	v6 =	vand.u32 $0x7F, v6;
	v16 =	vld [tilespmem:s21+$0xFFFFFFA0]  }
0x18d: {  	v7 =	vor.u32 v7, v10;
	v1 =	vor.u32 v1, v11;
	v4 =	vor.u32 v4, v13;
	v18 =	vld [tilespmem:s21+$0xFFFFFFB0]  }
0x18e: {  	v3 =	vor.u32 v3, v14;
	v5 =	vor.u32 v5, v12;
	v2 =	vor.u32 v2, v8;
	v10 =	vld [tilespmem:s21+$0xFFFFFFC0];
	[tilespmem:s18+$0xFFFFFF90] =	vst v7  }
0x18f: {  	v6 =	vor.u32 v6, v9;
	v7 =	vld [tilespmem:s21+$0xFFFFFFD0];
	v8 =	vmul.u32 $0x108, v17;
	[tilespmem:s18+$0xFFFFFFA0] =	vst v1  }
0x190: {  	v1 =	vmul.u32 $0x21, v17;
	v9 =	vld [tilespmem:s21+$0xFFFFFFE0];
	v11 =	vshll.u32 v15, $0xD;
	[tilespmem:s18+$0xFFFFFFB0] =	vst v4  }
0x191: {  	v12 =	vmul.u32 $0x108, v16;
	v13 =	vld [tilespmem:s21+$0xFFFFFFF0];
	v4 =	vadd.s32 v0, v11;
	v8 =	vand.u32 $0xFFFFFC00, v8;
	[tilespmem:s18+$0xFFFFFFC0] =	vst v3  }
0x192: {  	v11 =	vld [tilespmem:s21+$0xFFFFFF90];
	v14 =	vmul.u32 $0x108, v18;
	v3 =	vadd.s32 v8, v4;
	v4 =	vand.u32 $0x7F, v1;
	[tilespmem:s18+$0xFFFFFFD0] =	vst v5  }
0x193: {  	v1 =	vmul.u32 $0x21, v16;
	s18 =	sadd.s32 $0x80, s18;
	v8 =	vld [tilespmem:s17+$0xFFFFFF90];
	v15 =	vmul.u32 $0x108, v10;
	v5 =	vor.u32 v4, v3;
	[tilespmem:s19+$0xFFFFFFE0] =	vst v2  }
0x194: {  	v4 =	vmul.u32 $0x21, v18;
	v3 =	vmul.u32 $0x21, v10;
	v16 =	vld [tilespmem:s17+$0xFFFFFFA0];
	v10 =	vmul.u32 $0x108, v7;
	[tilespmem:s18+$0x0] =	vst v5  }
0x195: {  	v5 =	vmul.u32 $0x21, v7;
	v17 =	vld [tilespmem:s17+$0xFFFFFFB0];
	v2 =	vmul.u32 $0x21, v9;
	v9 =	vmul.u32 $0x108, v9;
	[tilespmem:s19+$0xFFFFFFF0] =	vst v6;
	s19 =	smov.u32 s18  }
0x196: {  	v12 =	vand.u32 $0xFFFFFC00, v12;
	v18 =	vld [tilespmem:s17+$0xFFFFFFC0];
	v6 =	vmul.u32 $0x21, v13;
	v13 =	vmul.u32 $0x108, v13  }
0x197: {  	v14 =	vand.u32 $0xFFFFFC00, v14;
	v7 =	vmul.u32 $0x21, v11;
	v11 =	vmul.u32 $0x108, v11;
	v19 =	vld [tilespmem:s17+$0xFFFFFFD0]  }
0x198: {  	v21 =	vand.u32 $0xFFFFFC00, v15;
	v22 =	vand.u32 $0xFFFFFC00, v10;
	v20 =	vshll.u32 v8, $0xD;
	v15 =	vld [tilespmem:s17+$0xFFFFFFE0]  }
0x199: {  	v8 =	vand.u32 $0xFFFFFC00, v9;
	v10 =	vand.u32 $0xFFFFFC00, v11;
	v11 =	vshll.u32 v16, $0xD;
	v16 =	vld [tilespmem:s17+$0xFFFFFFF0]  }
0x19a: {  	v9 =	vand.u32 $0xFFFFFC00, v13;
	v20 =	vadd.s32 v0, v20;
	v17 =	vshll.u32 v17, $0xD  }
.Ltmp6:
0x19b: {  	v11 =	vadd.s32 v0, v11;
	v13 =	vadd.s32 v0, v17;
	v17 =	vshll.u32 v18, $0xD;
	(pc) =	sbr.rel @p0 .LBB2_14-.Ltmp6, $4  }
0x19c: {  	v10 =	vadd.s32 v10, v20;
	v17 =	vadd.s32 v0, v17;
	v18 =	vshll.u32 v19, $0xD  }
0x19d: {  	v11 =	vadd.s32 v12, v11;
	v12 =	vadd.s32 v0, v18;
	v15 =	vshll.u32 v15, $0xD  }
0x19e: {  	v13 =	vadd.s32 v14, v13;
	v15 =	vadd.s32 v0, v15;
	v16 =	vshll.u32 v16, $0xD  }
0x19f: {  	s21 =	sadd.s32 $0x80, s21;
	v14 =	vadd.s32 v21, v17;
	v12 =	vadd.s32 v22, v12;
	v16 =	vadd.s32 v0, v16  }
0x1a0: {  	v7 =	vand.u32 $0x7F, v7  }
0x1a1: {  	v1 =	vand.u32 $0x7F, v1;
	v7 =	vor.u32 v7, v10  }
0x1a2: {  	v4 =	vand.u32 $0x7F, v4;
	v1 =	vor.u32 v1, v11;
	[tilespmem:s18+$0xFFFFFF90] =	vst v7  }
0x1a3: {  	v3 =	vand.u32 $0x7F, v3;
	v4 =	vor.u32 v4, v13;
	[tilespmem:s18+$0xFFFFFFA0] =	vst v1  }
0x1a4: {  	v3 =	vor.u32 v3, v14;
	v1 =	vand.u32 $0x7F, v5;
	[tilespmem:s18+$0xFFFFFFB0] =	vst v4  }
0x1a5: {  	v2 =	vand.u32 $0x7F, v2;
	v4 =	vadd.s32 v8, v15;
	[tilespmem:s18+$0xFFFFFFC0] =	vst v3;
	v1 =	vor.u32 v1, v12  }
0x1a6: {  	v3 =	vadd.s32 v9, v16;
	v5 =	vand.u32 $0x7F, v6;
	v2 =	vor.u32 v2, v4;
	[tilespmem:s18+$0xFFFFFFD0] =	vst v1  }
0x1a7: {  	v1 =	vor.u32 v5, v3;
	[tilespmem:s19+$0xFFFFFFE0] =	vst v2  }
0x1a8: {  	s21 =	simm.s32 $0x7870;
	[tilespmem:s19+$0xFFFFFFF0] =	vst v1  }
0x1a9: {  	[tilespmem:s28], [sflag:$0x2] =	stream.indirect.gather [hbm4b:s1+s13], $0x1, s26, s13, $0xb8;
	[tilespmem:$0x14400] =	vst v63  }
0x1aa: {  	s17 =	simm.s32 $0x3870;
	v1 =	vld [tilespmem:s21+$0x0]  }
0x1ab: {  	v2 =	vld [tilespmem:s17+$0x0]  }
0x1ac: {  	v3 =	vld [tilespmem:s21+$0xFFFFFFA0]  }
0x1ad: {  	v4 =	vld [tilespmem:s21+$0xFFFFFFB0]  }
0x1ae: {  	v5 =	vld [tilespmem:s21+$0xFFFFFFC0]  }
0x1af: {  	v6 =	vld [tilespmem:s21+$0xFFFFFFD0]  }
0x1b0: {  	v13 =	vld [tilespmem:s17+$0xFFFFFF90]  }
0x1b1: {  	v21 =	vld [tilespmem:s17+$0xFFFFFFE0]  }
0x1b2: {  	v22 =	vld [tilespmem:s17+$0xFFFFFFF0];
	_ =	sdelay $0x1  }
0x1b3: {  	v11 =	vld [tilespmem:s21+$0xFFFFFF90];
	v7 =	vmul.u32 $0x108, v1;
	v1 =	vmul.u32 $0x21, v1;
	v2 =	vshll.u32 v2, $0xD  }
0x1b4: {  	v10 =	vmul.u32 $0x108, v3;
	v12 =	vmul.u32 $0x108, v4;
	v14 =	vmul.u32 $0x108, v5  }
0x1b5: {  	v8 =	vld [tilespmem:s21+$0xFFFFFFE0];
	v4 =	vmul.u32 $0x21, v4;
	v17 =	vmul.u32 $0x108, v6;
	v13 =	vshll.u32 v13, $0xD  }
0x1b6: {  	v9 =	vld [tilespmem:s21+$0xFFFFFFF0];
	v62 =	vshll.u32 v21, $0xD;
	v63 =	vshll.u32 v22, $0xD;
	v2 =	vadd.s32 v0, v2  }
0x1b7: {  	v15 =	vld [tilespmem:s17+$0xFFFFFFA0];
	v13 =	vadd.s32 v0, v13;
	v7 =	vand.u32 $0xFFFFFC00, v7;
	v19 =	vand.u32 $0xFFFFFC00, v10  }
0x1b8: {  	v18 =	vld [tilespmem:s17+$0xFFFFFFB0];
	v10 =	vmul.u32 $0x108, v11;
	v12 =	vand.u32 $0xFFFFFC00, v12;
	v14 =	vand.u32 $0xFFFFFC00, v14  }
0x1b9: {  	v20 =	vld [tilespmem:s17+$0xFFFFFFC0];
	v17 =	vand.u32 $0xFFFFFC00, v17;
	v2 =	vadd.s32 v7, v2;
	v7 =	vand.u32 $0x7F, v1  }
0x1ba: {  	v1 =	vmul.u32 $0x21, v3;
	v3 =	vmul.u32 $0x21, v5;
	v5 =	vmul.u32 $0x21, v6  }
0x1bb: {  	v6 =	vmul.u32 $0x21, v9;
	v16 =	vor.u32 v7, v2;
	v7 =	vmul.u32 $0x21, v11;
	v11 =	vld [tilespmem:s17+$0xFFFFFFD0]  }
0x1bc: {  	v9 =	vmul.u32 $0x108, v9;
	v2 =	vmul.u32 $0x21, v8;
	v10 =	vand.u32 $0xFFFFFC00, v10  }
0x1bd: {  	v8 =	vmul.u32 $0x108, v8;
	v10 =	vadd.s32 v10, v13;
	v13 =	vshll.u32 v15, $0xD  }
0x1be: {  	s18 =	simm.s32 $0xB870;
	v15 =	vshll.u32 v18, $0xD;
	v9 =	vand.u32 $0xFFFFFC00, v9;
	v18 =	vshll.u32 v20, $0xD  }
0x1bf: {  	[tilespmem:s18+$0x0] =	vst v16;
	v16 =	vadd.s32 v0, v63;
	v8 =	vand.u32 $0xFFFFFC00, v8;
	v13 =	vadd.s32 v0, v13  }
0x1c0: {  	v15 =	vadd.s32 v0, v15;
	v18 =	vadd.s32 v0, v18;
	v61 =	vshll.u32 v11, $0xD  }
0x1c1: {  	v14 =	vadd.s32 v14, v18;
	v11 =	vadd.s32 v19, v13;
	v19 =	vadd.s32 v0, v61  }
0x1c2: {  	s20 =	simm.s32 $0x3800;
	s19 =	simm.s32 $0xB870;
	s21 =	simm.s32 $0x78F0;
	v13 =	vadd.s32 v12, v15;
	v15 =	vadd.s32 v0, v62;
	v12 =	vadd.s32 v17, v19  }
.LBB2_16:
0x1c3: {  	v17 =	vld [tilespmem:s21+$0x0];
	s20 =	sadd.s32 $0x80, s20;
	v7 =	vand.u32 $0x7F, v7;
	v8 =	vadd.s32 v8, v15;
	v9 =	vadd.s32 v9, v16;
	s17 =	sadd.s32 $0x80, s17  }
0x1c4: {  	v1 =	vand.u32 $0x7F, v1;
	v4 =	vand.u32 $0x7F, v4;
	v3 =	vand.u32 $0x7F, v3;
	v15 =	vld [tilespmem:s17+$0x0];
	p0 =	slt.u32 s20, $0x3F80  }
0x1c5: {  	v5 =	vand.u32 $0x7F, v5;
	v2 =	vand.u32 $0x7F, v2;
	v6 =	vand.u32 $0x7F, v6;
	v16 =	vld [tilespmem:s21+$0xFFFFFFA0]  }
0x1c6: {  	v7 =	vor.u32 v7, v10;
	v1 =	vor.u32 v1, v11;
	v4 =	vor.u32 v4, v13;
	v18 =	vld [tilespmem:s21+$0xFFFFFFB0]  }
0x1c7: {  	v3 =	vor.u32 v3, v14;
	v5 =	vor.u32 v5, v12;
	v2 =	vor.u32 v2, v8;
	v10 =	vld [tilespmem:s21+$0xFFFFFFC0];
	[tilespmem:s18+$0xFFFFFF90] =	vst v7  }
0x1c8: {  	v6 =	vor.u32 v6, v9;
	v7 =	vld [tilespmem:s21+$0xFFFFFFD0];
	v8 =	vmul.u32 $0x108, v17;
	[tilespmem:s18+$0xFFFFFFA0] =	vst v1  }
0x1c9: {  	v1 =	vmul.u32 $0x21, v17;
	v9 =	vld [tilespmem:s21+$0xFFFFFFE0];
	v11 =	vshll.u32 v15, $0xD;
	[tilespmem:s18+$0xFFFFFFB0] =	vst v4  }
0x1ca: {  	v12 =	vmul.u32 $0x108, v16;
	v13 =	vld [tilespmem:s21+$0xFFFFFFF0];
	v4 =	vadd.s32 v0, v11;
	v8 =	vand.u32 $0xFFFFFC00, v8;
	[tilespmem:s18+$0xFFFFFFC0] =	vst v3  }
0x1cb: {  	v11 =	vld [tilespmem:s21+$0xFFFFFF90];
	v14 =	vmul.u32 $0x108, v18;
	v3 =	vadd.s32 v8, v4;
	v4 =	vand.u32 $0x7F, v1;
	[tilespmem:s18+$0xFFFFFFD0] =	vst v5  }
0x1cc: {  	v1 =	vmul.u32 $0x21, v16;
	s18 =	sadd.s32 $0x80, s18;
	v8 =	vld [tilespmem:s17+$0xFFFFFF90];
	v15 =	vmul.u32 $0x108, v10;
	v5 =	vor.u32 v4, v3;
	[tilespmem:s19+$0xFFFFFFE0] =	vst v2  }
0x1cd: {  	v4 =	vmul.u32 $0x21, v18;
	v3 =	vmul.u32 $0x21, v10;
	v16 =	vld [tilespmem:s17+$0xFFFFFFA0];
	v10 =	vmul.u32 $0x108, v7;
	[tilespmem:s18+$0x0] =	vst v5  }
0x1ce: {  	v5 =	vmul.u32 $0x21, v7;
	v17 =	vld [tilespmem:s17+$0xFFFFFFB0];
	v2 =	vmul.u32 $0x21, v9;
	v9 =	vmul.u32 $0x108, v9;
	[tilespmem:s19+$0xFFFFFFF0] =	vst v6;
	s19 =	smov.u32 s18  }
0x1cf: {  	v12 =	vand.u32 $0xFFFFFC00, v12;
	v18 =	vld [tilespmem:s17+$0xFFFFFFC0];
	v6 =	vmul.u32 $0x21, v13;
	v13 =	vmul.u32 $0x108, v13  }
0x1d0: {  	v14 =	vand.u32 $0xFFFFFC00, v14;
	v7 =	vmul.u32 $0x21, v11;
	v11 =	vmul.u32 $0x108, v11;
	v19 =	vld [tilespmem:s17+$0xFFFFFFD0]  }
0x1d1: {  	v21 =	vand.u32 $0xFFFFFC00, v15;
	v22 =	vand.u32 $0xFFFFFC00, v10;
	v20 =	vshll.u32 v8, $0xD;
	v15 =	vld [tilespmem:s17+$0xFFFFFFE0]  }
0x1d2: {  	v8 =	vand.u32 $0xFFFFFC00, v9;
	v10 =	vand.u32 $0xFFFFFC00, v11;
	v11 =	vshll.u32 v16, $0xD;
	v16 =	vld [tilespmem:s17+$0xFFFFFFF0]  }
0x1d3: {  	v9 =	vand.u32 $0xFFFFFC00, v13;
	v20 =	vadd.s32 v0, v20;
	v17 =	vshll.u32 v17, $0xD  }
.Ltmp7:
0x1d4: {  	v11 =	vadd.s32 v0, v11;
	v13 =	vadd.s32 v0, v17;
	v17 =	vshll.u32 v18, $0xD;
	(pc) =	sbr.rel @p0 .LBB2_16-.Ltmp7, $4  }
0x1d5: {  	v10 =	vadd.s32 v10, v20;
	v17 =	vadd.s32 v0, v17;
	v18 =	vshll.u32 v19, $0xD  }
0x1d6: {  	v11 =	vadd.s32 v12, v11;
	v12 =	vadd.s32 v0, v18;
	v15 =	vshll.u32 v15, $0xD  }
0x1d7: {  	v13 =	vadd.s32 v14, v13;
	v15 =	vadd.s32 v0, v15;
	v16 =	vshll.u32 v16, $0xD  }
0x1d8: {  	s21 =	sadd.s32 $0x80, s21;
	v14 =	vadd.s32 v21, v17;
	v12 =	vadd.s32 v22, v12;
	v16 =	vadd.s32 v0, v16  }
0x1d9: {  	v7 =	vand.u32 $0x7F, v7  }
0x1da: {  	v1 =	vand.u32 $0x7F, v1;
	v7 =	vor.u32 v7, v10  }
0x1db: {  	v4 =	vand.u32 $0x7F, v4;
	v1 =	vor.u32 v1, v11;
	[tilespmem:s18+$0xFFFFFF90] =	vst v7  }
0x1dc: {  	v3 =	vand.u32 $0x7F, v3;
	v4 =	vor.u32 v4, v13;
	[tilespmem:s18+$0xFFFFFFA0] =	vst v1  }
0x1dd: {  	v3 =	vor.u32 v3, v14;
	v1 =	vand.u32 $0x7F, v5;
	[tilespmem:s18+$0xFFFFFFB0] =	vst v4  }
0x1de: {  	v2 =	vand.u32 $0x7F, v2;
	v4 =	vadd.s32 v8, v15;
	[tilespmem:s18+$0xFFFFFFC0] =	vst v3;
	v1 =	vor.u32 v1, v12  }
0x1df: {  	v3 =	vadd.s32 v9, v16;
	v5 =	vand.u32 $0x7F, v6;
	v2 =	vor.u32 v2, v4;
	[tilespmem:s18+$0xFFFFFFD0] =	vst v1  }
0x1e0: {  	v1 =	vor.u32 v5, v3;
	[tilespmem:s19+$0xFFFFFFE0] =	vst v2  }
0x1e1: {  	[tilespmem:s19+$0xFFFFFFF0] =	vst v1  }
0x1e2: {  	[tilespmem:s30], [sflag:$0x2] =	stream.indirect.gather [hbm4b:s1+s13], $0x1, s29, s13, $0xb8;
	[tilespmem:$0x14400] =	vst v63  }
0x1e3: {  	_ = 	snop  }
0x1e4: {  	[tilespmem:s12], [sflag:$0x3] =	stream.linear.gather [hbm4b:s4+s3], $0x4000, $0x38;
	[tilespmem:$0x14400] =	vst v63  }
0x1e5: {  	_ =	swait.ge [sflag:s11], $0x4000  }
0x1e6: {  	[sflag:s11] =	ssyncset.done $0x0  }
0x1e7: {  	[sflag:s11] =	ssyncadd.s32 $0xFFFFC000  }
0x1e8: {  	[tilespmem:s31], [sflag:$0x3] =	stream.linear.gather [hbm4b:s7+s3], $0x400, $0x38;
	[tilespmem:$0x14400] =	vst v63  }
0x1e9: {  	_ =	swait.ge [sflag:s11], $0x400  }
0x1ea: {  	[sflag:s11] =	ssyncset.done $0x0  }
0x1eb: {  	s17 =	simm.s32 $0x4040;
	[sflag:s11] =	ssyncadd.s32 $0xFFFFFC00  }
0x1ec: {  	v1 =	vld [tilespmem:s17+$0x30]  }
0x1ed: {  	v2 =	vld [tilespmem:s17+$0xFFFFFFD0]  }
0x1ee: {  	v3 =	vld [tilespmem:s17+$0xFFFFFFE0]  }
0x1ef: {  	v4 =	vld [tilespmem:s17+$0xFFFFFFF0]  }
0x1f0: {  	v5 =	vld [tilespmem:s17+$0x0]  }
0x1f1: {  	v7 =	vld [tilespmem:s17+$0x10]  }
0x1f2: {  	v8 =	vld [tilespmem:s17+$0x20]  }
0x1f3: {  	v61 =	vld [tilespmem:s17+$0xFFFFFFC0]  }
0x1f4: {  	v62 =	vld.idx.msk [tilespmem:v1+s31+$0x0], $0xffff  }
0x1f5: {  	v63 =	vld.idx.msk [tilespmem:v2+s31+$0x0], $0xffff  }
0x1f6: {  	v6 =	vld.idx.msk [tilespmem:v3+s31+$0x0], $0xffff  }
0x1f7: {  	v4 =	vld.idx.msk [tilespmem:v4+s31+$0x0], $0xffff  }
0x1f8: {  	v1 =	vld.idx.msk [tilespmem:v5+s31+$0x0], $0xffff  }
0x1f9: {  	s17 =	simm.s32 $0xC040;
	v2 =	vld.idx.msk [tilespmem:v7+s31+$0x0], $0xffff  }
0x1fa: {  	v3 =	vld.idx.msk [tilespmem:v8+s31+$0x0], $0xffff;
	[tilespmem:s17+$0x30] =	vst v62  }
0x1fb: {  	s18 =	simm.s32 $0x0;
	s19 =	simm.s32 $0x40C0;
	v5 =	vld.idx.msk [tilespmem:v61+s31+$0x0], $0xffff;
	[tilespmem:s17+$0xFFFFFFD0] =	vst v63  }
.LBB2_18:
0x1fc: {  	v7 =	vld [tilespmem:s19+$0x30];
	s18 =	sadd.s32 $0x80, s18;
	[tilespmem:s17+$0xFFFFFFE0] =	vst v6  }
0x1fd: {  	v6 =	vld [tilespmem:s19+$0xFFFFFFD0];
	p0 =	slt.u32 s18, $0x3F80;
	[tilespmem:s17+$0xFFFFFFF0] =	vst v4  }
0x1fe: {  	v4 =	vld [tilespmem:s19+$0xFFFFFFE0];
	[tilespmem:s17+$0x0] =	vst v1  }
0x1ff: {  	v1 =	vld [tilespmem:s19+$0xFFFFFFF0];
	[tilespmem:s17+$0x10] =	vst v2  }
0x200: {  	v2 =	vld [tilespmem:s19+$0x0];
	[tilespmem:s17+$0x20] =	vst v3  }
0x201: {  	v3 =	vld [tilespmem:s19+$0x10];
	[tilespmem:s17+$0xFFFFFFC0] =	vst v5  }
0x202: {  	v5 =	vld [tilespmem:s19+$0x20]  }
0x203: {  	v8 =	vld [tilespmem:s19+$0xFFFFFFC0]  }
0x204: {  	v7 =	vld.idx.msk [tilespmem:v7+s31+$0x0], $0xffff  }
0x205: {  	v9 =	vld.idx.msk [tilespmem:v6+s31+$0x0], $0xffff  }
0x206: {  	v6 =	vld.idx.msk [tilespmem:v4+s31+$0x0], $0xffff  }
.Ltmp8:
0x207: {  	v4 =	vld.idx.msk [tilespmem:v1+s31+$0x0], $0xffff;
	(pc) =	sbr.rel @p0 .LBB2_18-.Ltmp8, $4  }
0x208: {  	v1 =	vld.idx.msk [tilespmem:v2+s31+$0x0], $0xffff  }
0x209: {  	s17 =	sadd.s32 $0x80, s17;
	v2 =	vld.idx.msk [tilespmem:v3+s31+$0x0], $0xffff  }
0x20a: {  	v3 =	vld.idx.msk [tilespmem:v5+s31+$0x0], $0xffff;
	[tilespmem:s17+$0x30] =	vst v7  }
0x20b: {  	s19 =	sadd.s32 $0x80, s19;
	v5 =	vld.idx.msk [tilespmem:v8+s31+$0x0], $0xffff;
	[tilespmem:s17+$0xFFFFFFD0] =	vst v9  }
0x20c: {  	[tilespmem:s17+$0xFFFFFFE0] =	vst v6  }
0x20d: {  	[tilespmem:s17+$0xFFFFFFF0] =	vst v4  }
0x20e: {  	[tilespmem:s17+$0x0] =	vst v1  }
0x20f: {  	[tilespmem:s17+$0x10] =	vst v2  }
0x210: {  	[tilespmem:s17+$0x20] =	vst v3  }
0x211: {  	[tilespmem:s17+$0xFFFFFFC0] =	vst v5  }
0x212: {  	[hbm4b:s8+s3] =	stream.linear.scatter [tilespmem:s0], [sflag:$0x1], $0x4000, $0x38;
	[tilespmem:$0x14400] =	vst v63  }
0x213: {  	_ =	swait.ge [sflag:s2], $0x800  }
0x214: {  	[sflag:s2] =	ssyncset.done $0x0  }
0x215: {  	[sflag:s2] =	ssyncadd.s32 $0xFFFFF800  }
0x216: {  	_ =	swait.ge [sflag:s2], $0x800  }
0x217: {  	[sflag:s2] =	ssyncset.done $0x0  }
0x218: {  	[sflag:s2] =	ssyncadd.s32 $0xFFFFF800  }
0x219: {  	_ =	swait.ge [sflag:s2], $0x800  }
0x21a: {  	[sflag:s2] =	ssyncset.done $0x0  }
0x21b: {  	[sflag:s2] =	ssyncadd.s32 $0xFFFFF800  }
0x21c: {  	_ =	swait.ge [sflag:s2], $0x800  }
0x21d: {  	[sflag:s2] =	ssyncset.done $0x0  }
0x21e: {  	[sflag:s2] =	ssyncadd.s32 $0xFFFFF800  }
0x21f: {  	_ =	swait.ge [sflag:s2], $0x800  }
0x220: {  	[sflag:s2] =	ssyncset.done $0x0  }
0x221: {  	[sflag:s2] =	ssyncadd.s32 $0xFFFFF800  }
0x222: {  	_ =	swait.ge [sflag:s2], $0x800  }
0x223: {  	[sflag:s2] =	ssyncset.done $0x0  }
0x224: {  	[sflag:s2] =	ssyncadd.s32 $0xFFFFF800  }
0x225: {  	_ =	swait.ge [sflag:s2], $0x800  }
0x226: {  	[sflag:s2] =	ssyncset.done $0x0  }
0x227: {  	[sflag:s2] =	ssyncadd.s32 $0xFFFFF800  }
0x228: {  	_ =	swait.ge [sflag:s2], $0x800  }
0x229: {  	[sflag:s2] =	ssyncset.done $0x0  }
0x22a: {  	s16 =	sadd.s32 $0x1, s16;
	[sflag:s2] =	ssyncadd.s32 $0xFFFFF800  }
0x22b: {  	[hbm4b:s9+s3] =	stream.linear.scatter [tilespmem:s15], [sflag:$0x2], $0x4000, $0x38;
	[tilespmem:$0x14400] =	vst v63  }
0x22c: {  	p0 =	sne.s32 s16, s10;
	_ =	swait.ge [sflag:s14], $0x4000  }
.Ltmp9:
0x22d: {  	[sflag:s14] =	ssyncset.done $0x0;
	(pc) =	sbr.rel @p0 .LBB2_1-.Ltmp9, $4  }
0x22e: {  	[sflag:s14] =	ssyncadd.s32 $0xFFFFC000  }
0x22f: {  	_ =	swait.ge [sflag:s2], $0x4000  }
0x230: {  	[sflag:s2] =	ssyncset.done $0x0  }
0x231: {  	[sflag:s2] =	ssyncadd.s32 $0xFFFFC000  }
0x232: {  	_ =	sfence.sel $0x180000  }
0x233: {  	[bflag:$0x0] =	sbarrier.arrive $0xFFFF  }
0x234: {  	_ =	strace $0x90000047  }
0x235: {  	s0 =	stileid.u32;
	[bflag:$0x2] =	sbarrier.arrive $0xFFFF  }
0x236: {  	p0 =	sne.s32 s0, $0x0;
	s0 =	rddreg [dreg:$0x4]  }
0x237: {  	s0 =	sadd.s32 @!p0 $0x100000, s0  }
0x238: {  	[sflag:s0] =	ssyncadd.tile.s32 @!p0 $0x1;
	_ =	shalt  }
.Lfunc_end2:
_tile_overlayer_lowered:
.L_overlay_start_2:
0x239: {  	(tag) =	ssettag $0x2  }
0x23a: {  	s0 =	rddreg [dreg:$0x0];
	s2 =	stileid.u32  }
0x23b: {  	s1 =	rddreg [dreg:$0x1];
	p0 =	sne.s32 s2, $0x0  }
0x23c: {  	s3 =	rddreg [dreg:$0x2];
	[bflag:$0x3] =	sbarrier.arrive $0xFFFF;
	s2 =	simm.s32 @!p0 $0x1C03  }
0x23d: {  	[timem:s3], [sflag:s2] =	dma.local @!p0 [hbm:s0], s1  }
0x23e: {  	s0 =	simm.s32 @!p0 $0x3  }
0x23f: {  	_ =	swait.ge @!p0 [sflag:s0], s1  }
0x240: {  	s1 =	ssub.s32 @!p0 $0x0, s1;
	[sflag:s0] =	ssyncset.done @!p0 $0x0  }
0x241: {  	[sflag:s0] =	ssyncadd.s32 @!p0 s1  }
0x242: {  	[bflag:$0x3] =	sbarrier.arrive $0xFFFF  }
0x243: {  	_ =	shalt  }

</sc_bundles>
